<compile_context>
chip_gen: v7x
topology: tpu7x:2x2x1
jax: 0.10.2.dev20260603
libtpu: 0.0.44.dev20260713+nightly
codegen_flags: <defaults>
</compile_context>

<pallas_src>
import functools

import jax
import jax.numpy as jnp
from jax import lax
from jax.experimental import pallas as pl
from jax.experimental.pallas import tpu as pltpu
from jax.experimental.pallas import tpu_sc as plsc

_NUM_LAYERS = 8
_DEPTH = 10
_TREE_DIM = 4
_INPUT_DIM = 256
_NSEL = _NUM_LAYERS * _DEPTH
_NLEAF = 2 ** _DEPTH
_TABLE = _NUM_LAYERS * _NLEAF

_SC_CORES = 2
_SC_SUBCORES = 16
_SC_WORKERS = _SC_CORES * _SC_SUBCORES
_LANES = 16


_C_W = _INPUT_DIM
_C_B = _C_W + 1
_C_FCB = _C_B + 1
_C_LV = _C_FCB + _NLEAF
_C_FCW = _C_LV + 2


def _tc_body(x_ref, pk_ref, fcw_ref, lt_ref, idx_ref, tab_ref):
    w = pk_ref[:, :_C_W]
    b = pk_ref[:, _C_W:_C_B]
    dec = lax.dot_general(
        w, x_ref[...], (((1,), (1,)), ((), ())),
        preferred_element_type=jnp.float32,
    )
    bits = (dec + b > 0.0).astype(jnp.float32)
    col = lax.broadcasted_iota(jnp.int32, (_NUM_LAYERS, _NSEL), 1)
    row = lax.broadcasted_iota(jnp.int32, (_NUM_LAYERS, _NSEL), 0)
    mm = jnp.where(row == col // _DEPTH,
                   jnp.left_shift(1, (_DEPTH - 1) - col % _DEPTH),
                   0).astype(jnp.float32)
    idxf = lax.dot_general(
        mm, bits, (((1,), (0,)), ((), ())),
        preferred_element_type=jnp.float32,
    )
    offs = lax.broadcasted_iota(jnp.int32, (_NUM_LAYERS, 1), 0) * _NLEAF
    idx_ref[...] = idxf.astype(jnp.int32) + offs

    @pl.when(pl.program_id(0) == 0)
    def _fold_tables():
        fcb_col = pk_ref[0:2, _C_B:_C_FCB]
        for l in range(_NUM_LAYERS):
            t = lax.dot_general(
                fcw_ref[l * _TREE_DIM:(l + 1) * _TREE_DIM, :],
                lt_ref[l],
                (((0,), (0,)), ((), ())),
                preferred_element_type=jnp.float32,
            )
            if l == 0:
                t = t + fcb_col
            tu = lax.bitcast_convert_type(
                t.astype(jnp.bfloat16), jnp.uint16).astype(jnp.uint32)
            packed = tu[0:1, :] | (tu[1:2, :] << 16)
            tab_ref[:, l * _NLEAF:(l + 1) * _NLEAF] = lax.bitcast_convert_type(
                packed, jnp.int32)


def _make_sc_gather(batch):
    bpw = batch // _SC_WORKERS
    groups = bpw // _LANES

    @functools.partial(
        pl.kernel,
        out_type=jax.ShapeDtypeStruct((2, batch), jnp.float32),
        mesh=plsc.VectorSubcoreMesh(core_axis_name="c", subcore_axis_name="s"),
        compiler_params=pltpu.CompilerParams(needs_layout_passes=False),
        scratch_types=[
            pltpu.VMEM((_TABLE,), jnp.int32),
            pltpu.VMEM((_NUM_LAYERS, bpw), jnp.int32),
            pltpu.VMEM((2, bpw), jnp.float32),
            pltpu.SemaphoreType.DMA,
            pltpu.SemaphoreType.DMA,
        ],
    )
    def _sc_gather(tab_hbm, idx_hbm, out_hbm, tab_v, idx_v, out_v,
                   sem0, sem2):
        wid = lax.axis_index("s") * _SC_CORES + lax.axis_index("c")
        base = wid * bpw
        c0 = pltpu.async_copy(tab_hbm.at[0], tab_v, sem0)
        c2 = pltpu.async_copy(idx_hbm.at[:, pl.ds(base, bpw)], idx_v, sem2)
        c0.wait()
        c2.wait()

        def body(g, carry):
            s = pl.multiple_of(g * _LANES, _LANES)
            acc0 = jnp.zeros((_LANES,), jnp.float32)
            acc1 = jnp.zeros((_LANES,), jnp.float32)
            for l in range(_NUM_LAYERS):
                gi = idx_v[l, pl.ds(s, _LANES)]
                v = plsc.load_gather(tab_v, [gi])
                acc0 = acc0 + plsc.bitcast(lax.shift_left(v, 16), jnp.float32)
                acc1 = acc1 + plsc.bitcast(
                    jnp.bitwise_and(v, jnp.int32(-65536)), jnp.float32)
            out_v[0, pl.ds(s, _LANES)] = acc0
            out_v[1, pl.ds(s, _LANES)] = acc1
            return carry

        lax.fori_loop(0, groups, body, 0)
        pltpu.sync_copy(out_v, out_hbm.at[:, pl.ds(base, bpw)])

    return _sc_gather


def kernel(x, sel_w, sel_b, leaves, fc_w, fc_b):
    batch = x.shape[0]
    block_b = 8192
    pack = jnp.concatenate(
        [sel_w.reshape(_NSEL, _INPUT_DIM),
         sel_b.reshape(_NSEL, 1),
         jnp.pad(fc_b, (0, _NSEL - 2)).reshape(_NSEL, 1)],
        axis=1,
    )
    leaves_t = jnp.transpose(leaves, (0, 2, 1))

    idx_t, tab = pl.pallas_call(
        _tc_body,
        grid=(batch // block_b,),
        in_specs=[
            pl.BlockSpec((block_b, _INPUT_DIM), lambda i: (i, 0)),
            pl.BlockSpec((_NSEL, _C_FCB), lambda i: (0, 0)),
            pl.BlockSpec((_NUM_LAYERS * _TREE_DIM, 2), lambda i: (0, 0)),
            pl.BlockSpec((_NUM_LAYERS, _TREE_DIM, _NLEAF), lambda i: (0, 0, 0)),
        ],
        out_specs=[
            pl.BlockSpec((_NUM_LAYERS, block_b), lambda i: (0, i)),
            pl.BlockSpec((1, _TABLE), lambda i: (0, 0)),
        ],
        out_shape=[
            jax.ShapeDtypeStruct((_NUM_LAYERS, batch), jnp.int32),
            jax.ShapeDtypeStruct((1, _TABLE), jnp.int32),
        ],
    )(x, pack, fc_w, leaves_t)

    return _make_sc_gather(batch)(tab, idx_t).T

# --- scband reference (transcript-rebuilt; emitter-appended) ---
"""Pipeline reference for scband-node-18004502905504 (READ-ONLY COPY).

The authoritative reference and input builder live on the scoring server;
editing this copy changes nothing except your own understanding.
"""

import jax, jax.numpy as jnp
import numpy as np

NUM_LAYERS = 8
DEPTH = 10
TREE_DIM = 4
INPUT_DIM = 256
BATCH = 16384


def setup_inputs(seed: int = 0) -> dict:
    key = jax.random.key(seed)
    ks = jax.random.split(key, 6)
    x = jax.random.normal(ks[0], (BATCH, INPUT_DIM), dtype=jnp.float32)
    sel_w = jax.random.normal(ks[1], (NUM_LAYERS, DEPTH, INPUT_DIM), dtype=jnp.float32) * (1.0 / np.sqrt(INPUT_DIM))
    sel_b = jax.random.normal(ks[2], (NUM_LAYERS, DEPTH), dtype=jnp.float32) * 0.01
    leaves = jax.random.normal(ks[3], (NUM_LAYERS, 2 ** DEPTH, TREE_DIM), dtype=jnp.float32)
    fc_w = jax.random.normal(ks[4], (NUM_LAYERS * TREE_DIM, 2), dtype=jnp.float32) * (1.0 / np.sqrt(NUM_LAYERS * TREE_DIM))
    fc_b = jnp.zeros((2,), dtype=jnp.float32)
    return {"x": x, "sel_w": sel_w, "sel_b": sel_b, "leaves": leaves, "fc_w": fc_w, "fc_b": fc_b}


def reference(x, sel_w, sel_b, leaves, fc_w, fc_b):
    # NODE: ensemble of oblivious decision trees.
    # Each tree: depth linear selectors -> sigmoid -> hard binary decision,
    # accumulate leaf index, then embedding-style gather from leaf_values.
    outs = []
    for l in range(NUM_LAYERS):
        idx = jnp.zeros((x.shape[0],), dtype=jnp.int32)
        for d in range(DEPTH):
            dec = jax.nn.sigmoid(x @ sel_w[l, d] + sel_b[l, d])
            binary = (dec > 0.5).astype(jnp.int32)
            idx = idx * 2 + binary
        outs.append(jnp.take(leaves[l], idx, axis=0))  # gather [B, tree_dim]
    concatenated = jnp.concatenate(outs, axis=1)  # [B, num_layers * tree_dim]
    return concatenated @ fc_w + fc_b

if __name__ == "__main__":
    import jax
    _d = setup_inputs()
    print(jax.jit(kernel)(*tuple(_d.values())))

</pallas_src>

<mosaic_0001>
#map = affine_map<(d0, d1) -> (0, 0)>
module attributes {stable_mosaic.version = 14 : i64} {
  func.func @_sc_gather(%arg0: i32, %arg1: i32, %arg2: memref<1x8192xi32, #tpu.memory_space<hbm>>, %arg3: memref<8x16384xi32, #tpu.memory_space<hbm>>, %arg4: memref<2x16384xf32, #tpu.memory_space<hbm>>, %arg5: memref<8192xi32, #tpu.memory_space<vmem>>, %arg6: memref<8x512xi32, #tpu.memory_space<vmem>>, %arg7: memref<2x512xf32, #tpu.memory_space<vmem>>, %arg8: memref<!tpu.dma_semaphore, #tpu.memory_space<semaphore_mem>>, %arg9: memref<!tpu.dma_semaphore, #tpu.memory_space<semaphore_mem>>) attributes {dimension_semantics = [#tpu.dimension_semantics<core_parallel>, #tpu.dimension_semantics<subcore_parallel>], iteration_bounds = array<i64: 2, 16>, scalar_prefetch = 0 : i64, scratch_operands = 5 : i64, tpu.core_type = #tpu.core_type<sc_vector_subcore>, window_params = [{transform_indices = #map}, {transform_indices = #map}, {transform_indices = #map}]} {
    %mul3A = arith.constant 2 : i32
    %mul3A_0 = arith.muli %arg1, %mul3A : i32
    %add3A = arith.addi %mul3A_0, %arg0 : i32
    %mul3A_1 = arith.constant 512 : i32
    %mul3A_2 = arith.muli %add3A, %mul3A_1 : i32
    %dma_start3A = arith.constant 0 : i32
    %dma_start3A_3 = arith.constant 0 : i32
    %dma_start3A_4 = tpu.memref_slice %arg2[%dma_start3A, %dma_start3A_3] : memref<1x8192xi32, #tpu.memory_space<hbm>> -> memref<1x8192xi32, #tpu.memory_space<hbm>>
    %dma_start3A_5 = tpu.memref_squeeze %dma_start3A_4 : memref<1x8192xi32, #tpu.memory_space<hbm>> -> memref<8192xi32, #tpu.memory_space<hbm>>
    %dma_start3A_6 = arith.constant 0 : i32
    %dma_start3A_7 = tpu.memref_slice %arg2[%dma_start3A, %dma_start3A_6] : memref<1x8192xi32, #tpu.memory_space<hbm>> -> memref<1x8192xi32, #tpu.memory_space<hbm>>
    %dma_start3A_8 = tpu.memref_squeeze %dma_start3A_7 : memref<1x8192xi32, #tpu.memory_space<hbm>> -> memref<8192xi32, #tpu.memory_space<hbm>>
    tpu.enqueue_dma source(%dma_start3A_8 : memref<8192xi32, #tpu.memory_space<hbm>>) target(%arg5 : memref<8192xi32, #tpu.memory_space<vmem>>) target_semaphore(%arg8 : memref<!tpu.dma_semaphore, #tpu.memory_space<semaphore_mem>>)
    %dma_start3A_9 = arith.constant 0 : i32
    %dma_start3A_10 = tpu.memref_slice %arg3[%dma_start3A_9, %mul3A_2] : memref<8x16384xi32, #tpu.memory_space<hbm>> -> memref<8x512xi32, #tpu.memory_space<hbm>>
    %dma_start3A_11 = arith.constant 0 : i32
    %dma_start3A_12 = tpu.memref_slice %arg3[%dma_start3A_11, %mul3A_2] : memref<8x16384xi32, #tpu.memory_space<hbm>> -> memref<8x512xi32, #tpu.memory_space<hbm>>
    tpu.enqueue_dma source(%dma_start3A_12 : memref<8x512xi32, #tpu.memory_space<hbm>>) target(%arg6 : memref<8x512xi32, #tpu.memory_space<vmem>>) target_semaphore(%arg9 : memref<!tpu.dma_semaphore, #tpu.memory_space<semaphore_mem>>)
    %dma_wait3A = arith.constant 0 : i32
    %dma_wait3A_13 = arith.constant 0 : i32
    %dma_wait3A_14 = tpu.memref_slice %arg2[%dma_wait3A, %dma_wait3A_13] : memref<1x8192xi32, #tpu.memory_space<hbm>> -> memref<1x8192xi32, #tpu.memory_space<hbm>>
    %dma_wait3A_15 = tpu.memref_squeeze %dma_wait3A_14 : memref<1x8192xi32, #tpu.memory_space<hbm>> -> memref<8192xi32, #tpu.memory_space<hbm>>
    %dma_wait3A_16 = arith.constant 0 : i32
    %dma_wait3A_17 = tpu.memref_slice %arg2[%dma_wait3A, %dma_wait3A_16] : memref<1x8192xi32, #tpu.memory_space<hbm>> -> memref<1x8192xi32, #tpu.memory_space<hbm>>
    %dma_wait3A_18 = tpu.memref_squeeze %dma_wait3A_17 : memref<1x8192xi32, #tpu.memory_space<hbm>> -> memref<8192xi32, #tpu.memory_space<hbm>>
    tpu.wait_dma2 semaphore(%arg8 : memref<!tpu.dma_semaphore, #tpu.memory_space<semaphore_mem>>) src(%dma_wait3A_18 : memref<8192xi32, #tpu.memory_space<hbm>>) dst(%arg5 : memref<8192xi32, #tpu.memory_space<vmem>>)
    %dma_wait3A_19 = arith.constant 0 : i32
    %dma_wait3A_20 = tpu.memref_slice %arg3[%dma_wait3A_19, %mul3A_2] : memref<8x16384xi32, #tpu.memory_space<hbm>> -> memref<8x512xi32, #tpu.memory_space<hbm>>
    %dma_wait3A_21 = arith.constant 0 : i32
    %dma_wait3A_22 = tpu.memref_slice %arg3[%dma_wait3A_21, %mul3A_2] : memref<8x16384xi32, #tpu.memory_space<hbm>> -> memref<8x512xi32, #tpu.memory_space<hbm>>
    tpu.wait_dma2 semaphore(%arg9 : memref<!tpu.dma_semaphore, #tpu.memory_space<semaphore_mem>>) src(%dma_wait3A_22 : memref<8x512xi32, #tpu.memory_space<hbm>>) dst(%arg6 : memref<8x512xi32, #tpu.memory_space<vmem>>)
    %scan3A = arith.constant 0 : i32
    %scan3A_23 = arith.constant 0 : i32
    %scan3A_24 = arith.constant 32 : i32
    %scan3A_25 = arith.addi %scan3A_23, %scan3A_24 : i32
    %scan3A_26 = arith.constant 1 : i32
    scf.for %scan3A_28 = %scan3A_23 to %scan3A_25 step %scan3A_26  : i32 {
      %mul3A_29 = arith.constant 16 : i32
      %mul3A_30 = arith.muli %scan3A_28, %mul3A_29 : i32
      %multiple_of3A = tpu.assume_multiple %mul3A_30, 16 : i32
      %broadcast_in_dim3A = arith.constant 0.000000e+00 : f32
      %broadcast_in_dim3A_31 = vector.broadcast %broadcast_in_dim3A : f32 to vector<16xf32>
      %broadcast_in_dim3A_32 = arith.constant 0.000000e+00 : f32
      %broadcast_in_dim3A_33 = vector.broadcast %broadcast_in_dim3A_32 : f32 to vector<16xf32>
      %get3A = arith.constant 0 : i32
      %get3A_34 = arith.index_cast %get3A : i32 to index
      %get3A_35 = arith.index_cast %multiple_of3A : i32 to index
      %get3A_36 = tpu.vector_load %arg6[%get3A_34, %get3A_35] {strides = array<i32>} : memref<8x512xi32, #tpu.memory_space<vmem>>, vector<16xi32>,
      %gather3A = tpu.vector_load_idx %arg5[%get3A_36] : memref<8192xi32, #tpu.memory_space<vmem>>[vector<16xi32>], vector<16xi32>,
      %shift_left3A = arith.constant 16 : i32
      %shift_left3A_37 = vector.broadcast %shift_left3A : i32 to vector<16xi32>
      %shift_left3A_38 = arith.shli %gather3A, %shift_left3A_37 : vector<16xi32>
      %bitcast3A = vector.bitcast %shift_left3A_38 : vector<16xi32> to vector<16xf32>
      %add3A_39 = arith.addf %broadcast_in_dim3A_31, %bitcast3A : vector<16xf32>
      %and3A = arith.constant -65536 : i32
      %and3A_40 = vector.broadcast %and3A : i32 to vector<16xi32>
      %and3A_41 = arith.andi %gather3A, %and3A_40 : vector<16xi32>
      %bitcast3A_42 = vector.bitcast %and3A_41 : vector<16xi32> to vector<16xf32>
      %add3A_43 = arith.addf %broadcast_in_dim3A_33, %bitcast3A_42 : vector<16xf32>
      %get3A_44 = arith.constant 1 : i32
      %get3A_45 = arith.index_cast %get3A_44 : i32 to index
      %get3A_46 = arith.index_cast %multiple_of3A : i32 to index
      %get3A_47 = tpu.vector_load %arg6[%get3A_45, %get3A_46] {strides = array<i32>} : memref<8x512xi32, #tpu.memory_space<vmem>>, vector<16xi32>,
      %gather3A_48 = tpu.vector_load_idx %arg5[%get3A_47] : memref<8192xi32, #tpu.memory_space<vmem>>[vector<16xi32>], vector<16xi32>,
      %shift_left3A_49 = arith.constant 16 : i32
      %shift_left3A_50 = vector.broadcast %shift_left3A_49 : i32 to vector<16xi32>
      %shift_left3A_51 = arith.shli %gather3A_48, %shift_left3A_50 : vector<16xi32>
      %bitcast3A_52 = vector.bitcast %shift_left3A_51 : vector<16xi32> to vector<16xf32>
      %add3A_53 = arith.addf %add3A_39, %bitcast3A_52 : vector<16xf32>
      %and3A_54 = arith.constant -65536 : i32
      %and3A_55 = vector.broadcast %and3A_54 : i32 to vector<16xi32>
      %and3A_56 = arith.andi %gather3A_48, %and3A_55 : vector<16xi32>
      %bitcast3A_57 = vector.bitcast %and3A_56 : vector<16xi32> to vector<16xf32>
      %add3A_58 = arith.addf %add3A_43, %bitcast3A_57 : vector<16xf32>
      %get3A_59 = arith.constant 2 : i32
      %get3A_60 = arith.index_cast %get3A_59 : i32 to index
      %get3A_61 = arith.index_cast %multiple_of3A : i32 to index
      %get3A_62 = tpu.vector_load %arg6[%get3A_60, %get3A_61] {strides = array<i32>} : memref<8x512xi32, #tpu.memory_space<vmem>>, vector<16xi32>,
      %gather3A_63 = tpu.vector_load_idx %arg5[%get3A_62] : memref<8192xi32, #tpu.memory_space<vmem>>[vector<16xi32>], vector<16xi32>,
      %shift_left3A_64 = arith.constant 16 : i32
      %shift_left3A_65 = vector.broadcast %shift_left3A_64 : i32 to vector<16xi32>
      %shift_left3A_66 = arith.shli %gather3A_63, %shift_left3A_65 : vector<16xi32>
      %bitcast3A_67 = vector.bitcast %shift_left3A_66 : vector<16xi32> to vector<16xf32>
      %add3A_68 = arith.addf %add3A_53, %bitcast3A_67 : vector<16xf32>
      %and3A_69 = arith.constant -65536 : i32
      %and3A_70 = vector.broadcast %and3A_69 : i32 to vector<16xi32>
      %and3A_71 = arith.andi %gather3A_63, %and3A_70 : vector<16xi32>
      %bitcast3A_72 = vector.bitcast %and3A_71 : vector<16xi32> to vector<16xf32>
      %add3A_73 = arith.addf %add3A_58, %bitcast3A_72 : vector<16xf32>
      %get3A_74 = arith.constant 3 : i32
      %get3A_75 = arith.index_cast %get3A_74 : i32 to index
      %get3A_76 = arith.index_cast %multiple_of3A : i32 to index
      %get3A_77 = tpu.vector_load %arg6[%get3A_75, %get3A_76] {strides = array<i32>} : memref<8x512xi32, #tpu.memory_space<vmem>>, vector<16xi32>,
      %gather3A_78 = tpu.vector_load_idx %arg5[%get3A_77] : memref<8192xi32, #tpu.memory_space<vmem>>[vector<16xi32>], vector<16xi32>,
      %shift_left3A_79 = arith.constant 16 : i32
      %shift_left3A_80 = vector.broadcast %shift_left3A_79 : i32 to vector<16xi32>
      %shift_left3A_81 = arith.shli %gather3A_78, %shift_left3A_80 : vector<16xi32>
      %bitcast3A_82 = vector.bitcast %shift_left3A_81 : vector<16xi32> to vector<16xf32>
      %add3A_83 = arith.addf %add3A_68, %bitcast3A_82 : vector<16xf32>
      %and3A_84 = arith.constant -65536 : i32
      %and3A_85 = vector.broadcast %and3A_84 : i32 to vector<16xi32>
      %and3A_86 = arith.andi %gather3A_78, %and3A_85 : vector<16xi32>
      %bitcast3A_87 = vector.bitcast %and3A_86 : vector<16xi32> to vector<16xf32>
      %add3A_88 = arith.addf %add3A_73, %bitcast3A_87 : vector<16xf32>
      %get3A_89 = arith.constant 4 : i32
      %get3A_90 = arith.index_cast %get3A_89 : i32 to index
      %get3A_91 = arith.index_cast %multiple_of3A : i32 to index
      %get3A_92 = tpu.vector_load %arg6[%get3A_90, %get3A_91] {strides = array<i32>} : memref<8x512xi32, #tpu.memory_space<vmem>>, vector<16xi32>,
      %gather3A_93 = tpu.vector_load_idx %arg5[%get3A_92] : memref<8192xi32, #tpu.memory_space<vmem>>[vector<16xi32>], vector<16xi32>,
      %shift_left3A_94 = arith.constant 16 : i32
      %shift_left3A_95 = vector.broadcast %shift_left3A_94 : i32 to vector<16xi32>
      %shift_left3A_96 = arith.shli %gather3A_93, %shift_left3A_95 : vector<16xi32>
      %bitcast3A_97 = vector.bitcast %shift_left3A_96 : vector<16xi32> to vector<16xf32>
      %add3A_98 = arith.addf %add3A_83, %bitcast3A_97 : vector<16xf32>
      %and3A_99 = arith.constant -65536 : i32
      %and3A_100 = vector.broadcast %and3A_99 : i32 to vector<16xi32>
      %and3A_101 = arith.andi %gather3A_93, %and3A_100 : vector<16xi32>
      %bitcast3A_102 = vector.bitcast %and3A_101 : vector<16xi32> to vector<16xf32>
      %add3A_103 = arith.addf %add3A_88, %bitcast3A_102 : vector<16xf32>
      %get3A_104 = arith.constant 5 : i32
      %get3A_105 = arith.index_cast %get3A_104 : i32 to index
      %get3A_106 = arith.index_cast %multiple_of3A : i32 to index
      %get3A_107 = tpu.vector_load %arg6[%get3A_105, %get3A_106] {strides = array<i32>} : memref<8x512xi32, #tpu.memory_space<vmem>>, vector<16xi32>,
      %gather3A_108 = tpu.vector_load_idx %arg5[%get3A_107] : memref<8192xi32, #tpu.memory_space<vmem>>[vector<16xi32>], vector<16xi32>,
      %shift_left3A_109 = arith.constant 16 : i32
      %shift_left3A_110 = vector.broadcast %shift_left3A_109 : i32 to vector<16xi32>
      %shift_left3A_111 = arith.shli %gather3A_108, %shift_left3A_110 : vector<16xi32>
      %bitcast3A_112 = vector.bitcast %shift_left3A_111 : vector<16xi32> to vector<16xf32>
      %add3A_113 = arith.addf %add3A_98, %bitcast3A_112 : vector<16xf32>
      %and3A_114 = arith.constant -65536 : i32
      %and3A_115 = vector.broadcast %and3A_114 : i32 to vector<16xi32>
      %and3A_116 = arith.andi %gather3A_108, %and3A_115 : vector<16xi32>
      %bitcast3A_117 = vector.bitcast %and3A_116 : vector<16xi32> to vector<16xf32>
      %add3A_118 = arith.addf %add3A_103, %bitcast3A_117 : vector<16xf32>
      %get3A_119 = arith.constant 6 : i32
      %get3A_120 = arith.index_cast %get3A_119 : i32 to index
      %get3A_121 = arith.index_cast %multiple_of3A : i32 to index
      %get3A_122 = tpu.vector_load %arg6[%get3A_120, %get3A_121] {strides = array<i32>} : memref<8x512xi32, #tpu.memory_space<vmem>>, vector<16xi32>,
      %gather3A_123 = tpu.vector_load_idx %arg5[%get3A_122] : memref<8192xi32, #tpu.memory_space<vmem>>[vector<16xi32>], vector<16xi32>,
      %shift_left3A_124 = arith.constant 16 : i32
      %shift_left3A_125 = vector.broadcast %shift_left3A_124 : i32 to vector<16xi32>
      %shift_left3A_126 = arith.shli %gather3A_123, %shift_left3A_125 : vector<16xi32>
      %bitcast3A_127 = vector.bitcast %shift_left3A_126 : vector<16xi32> to vector<16xf32>
      %add3A_128 = arith.addf %add3A_113, %bitcast3A_127 : vector<16xf32>
      %and3A_129 = arith.constant -65536 : i32
      %and3A_130 = vector.broadcast %and3A_129 : i32 to vector<16xi32>
      %and3A_131 = arith.andi %gather3A_123, %and3A_130 : vector<16xi32>
      %bitcast3A_132 = vector.bitcast %and3A_131 : vector<16xi32> to vector<16xf32>
      %add3A_133 = arith.addf %add3A_118, %bitcast3A_132 : vector<16xf32>
      %get3A_134 = arith.constant 7 : i32
      %get3A_135 = arith.index_cast %get3A_134 : i32 to index
      %get3A_136 = arith.index_cast %multiple_of3A : i32 to index
      %get3A_137 = tpu.vector_load %arg6[%get3A_135, %get3A_136] {strides = array<i32>} : memref<8x512xi32, #tpu.memory_space<vmem>>, vector<16xi32>,
      %gather3A_138 = tpu.vector_load_idx %arg5[%get3A_137] : memref<8192xi32, #tpu.memory_space<vmem>>[vector<16xi32>], vector<16xi32>,
      %shift_left3A_139 = arith.constant 16 : i32
      %shift_left3A_140 = vector.broadcast %shift_left3A_139 : i32 to vector<16xi32>
      %shift_left3A_141 = arith.shli %gather3A_138, %shift_left3A_140 : vector<16xi32>
      %bitcast3A_142 = vector.bitcast %shift_left3A_141 : vector<16xi32> to vector<16xf32>
      %add3A_143 = arith.addf %add3A_128, %bitcast3A_142 : vector<16xf32>
      %and3A_144 = arith.constant -65536 : i32
      %and3A_145 = vector.broadcast %and3A_144 : i32 to vector<16xi32>
      %and3A_146 = arith.andi %gather3A_138, %and3A_145 : vector<16xi32>
      %bitcast3A_147 = vector.bitcast %and3A_146 : vector<16xi32> to vector<16xf32>
      %add3A_148 = arith.addf %add3A_133, %bitcast3A_147 : vector<16xf32>
      %swap3A = arith.constant 0 : i32
      %swap3A_149 = arith.index_cast %swap3A : i32 to index
      %swap3A_150 = arith.index_cast %multiple_of3A : i32 to index
      %swap3A_151 = tpu.vector_load %arg7[%swap3A_149, %swap3A_150] {strides = array<i32>} : memref<2x512xf32, #tpu.memory_space<vmem>>, vector<16xf32>,
      tpu.vector_store %arg7[%swap3A_149, %swap3A_150], %add3A_143 {strides = array<i32>} : memref<2x512xf32, #tpu.memory_space<vmem>>, vector<16xf32>,
      %swap3A_152 = arith.constant 1 : i32
      %swap3A_153 = arith.index_cast %swap3A_152 : i32 to index
      %swap3A_154 = arith.index_cast %multiple_of3A : i32 to index
      %swap3A_155 = tpu.vector_load %arg7[%swap3A_153, %swap3A_154] {strides = array<i32>} : memref<2x512xf32, #tpu.memory_space<vmem>>, vector<16xf32>,
      tpu.vector_store %arg7[%swap3A_153, %swap3A_154], %add3A_148 {strides = array<i32>} : memref<2x512xf32, #tpu.memory_space<vmem>>, vector<16xf32>,
    }
    %scan3A_27 = arith.constant 32 : i32
    "tpu.region"() ({
      %run_scoped3A = tpu.sem_alloc : memref<!tpu.dma_semaphore, #tpu.memory_space<semaphore_mem>>
      %dma_start3A_28 = arith.constant 0 : i32
      %dma_start3A_29 = tpu.memref_slice %arg4[%dma_start3A_28, %mul3A_2] : memref<2x16384xf32, #tpu.memory_space<hbm>> -> memref<2x512xf32, #tpu.memory_space<hbm>>
      %dma_start3A_30 = arith.constant 0 : i32
      %dma_start3A_31 = tpu.memref_slice %arg4[%dma_start3A_30, %mul3A_2] : memref<2x16384xf32, #tpu.memory_space<hbm>> -> memref<2x512xf32, #tpu.memory_space<hbm>>
      tpu.enqueue_dma source(%arg7 : memref<2x512xf32, #tpu.memory_space<vmem>>) target(%dma_start3A_31 : memref<2x512xf32, #tpu.memory_space<hbm>>) target_semaphore(%run_scoped3A : memref<!tpu.dma_semaphore, #tpu.memory_space<semaphore_mem>>)
      %dma_wait3A_32 = arith.constant 0 : i32
      %dma_wait3A_33 = tpu.memref_slice %arg4[%dma_wait3A_32, %mul3A_2] : memref<2x16384xf32, #tpu.memory_space<hbm>> -> memref<2x512xf32, #tpu.memory_space<hbm>>
      %dma_wait3A_34 = arith.constant 0 : i32
      %dma_wait3A_35 = tpu.memref_slice %arg4[%dma_wait3A_34, %mul3A_2] : memref<2x16384xf32, #tpu.memory_space<hbm>> -> memref<2x512xf32, #tpu.memory_space<hbm>>
      tpu.wait_dma2 semaphore(%run_scoped3A : memref<!tpu.dma_semaphore, #tpu.memory_space<semaphore_mem>>) src(%arg7 : memref<2x512xf32, #tpu.memory_space<vmem>>) dst(%dma_wait3A_35 : memref<2x512xf32, #tpu.memory_space<hbm>>)
      tpu.yield
    }) : () -> ()
    return
  }
}

module attributes {stable_mosaic.version = 14 : i64} {
  func.func @_tc_body(%arg0: i32, %arg1: memref<8192x256xf32, #tpu.memory_space<vmem>>, %arg2: memref<80x258xf32, #tpu.memory_space<vmem>>, %arg3: memref<32x2xf32, #tpu.memory_space<vmem>>, %arg4: memref<8x4x1024xf32, #tpu.memory_space<vmem>>, %arg5: memref<8x8192xi32, #tpu.memory_space<vmem>>, %arg6: memref<1x8192xi32, #tpu.memory_space<vmem>>) attributes {dimension_semantics = [#tpu.dimension_semantics<arbitrary>], iteration_bounds = array<i64: 2>, scalar_prefetch = 0 : i64, scratch_operands = 0 : i64, tpu.core_type = #tpu.core_type<tc>, window_params = [{transform_indices = @transform_0, window_bounds = array<i64: 8192, 256>}, {pipeline_mode = #tpu.pipeline_mode<synchronous>, transform_indices = @transform_1, window_bounds = array<i64: 80, 258>}, {pipeline_mode = #tpu.pipeline_mode<synchronous>, transform_indices = @transform_2, window_bounds = array<i64: 32, 2>}, {pipeline_mode = #tpu.pipeline_mode<synchronous>, transform_indices = @transform_3, window_bounds = array<i64: 8, 4, 1024>}, {transform_indices = @transform_4, window_bounds = array<i64: 8, 8192>}, {pipeline_mode = #tpu.pipeline_mode<synchronous>, transform_indices = @transform_5, window_bounds = array<i64: 1, 8192>}]} {
    %get3A = arith.constant 0 : index
    %get3A_0 = arith.constant 0 : index
    %get3A_1 = vector.load %arg2[%get3A, %get3A_0] : memref<80x258xf32, #tpu.memory_space<vmem>>, vector<80x256xf32>
    %get3A_2 = arith.constant 0 : index
    %get3A_3 = arith.constant 256 : index
    %get3A_4 = vector.load %arg2[%get3A_2, %get3A_3] : memref<80x258xf32, #tpu.memory_space<vmem>>, vector<80x1xf32>
    %get3A_5 = arith.constant 0 : index
    %get3A_6 = arith.constant 0 : index
    %get3A_7 = vector.load %arg1[%get3A_5, %get3A_6] : memref<8192x256xf32, #tpu.memory_space<vmem>>, vector<8192x256xf32>
    %dot_general3A = arith.constant dense<0.000000e+00> : vector<80x8192xf32>
    %dot_general3A_8 = tpu.matmul %get3A_1, %get3A_7, %dot_general3A {dimension_numbers = #tpu.dot_dimension_numbers<[1], [1], [0], [0], [0, 0, 1, 0], [], []>, transpose_lhs_hint = false} : vector<80x256xf32>, vector<8192x256xf32>, vector<80x8192xf32> -> vector<80x8192xf32>
    %add3A = vector.broadcast %get3A_4 : vector<80x1xf32> to vector<80x8192xf32>
    %add3A_9 = arith.addf %dot_general3A_8, %add3A : vector<80x8192xf32>
    %gt3A = arith.constant 0.000000e+00 : f32
    %gt3A_10 = vector.broadcast %gt3A : f32 to vector<80x8192xf32>
    %gt3A_11 = arith.cmpf ogt, %add3A_9, %gt3A_10 : vector<80x8192xf32>
    %convert_element_type3A = arith.extui %gt3A_11 : vector<80x8192xi1> to vector<80x8192xi32>
    %convert_element_type3A_12 = arith.sitofp %convert_element_type3A : vector<80x8192xi32> to vector<80x8192xf32>
    %iota3A = tpu.iota {dimensions = array<i32: 1>} : vector<8x80xi32>
    %iota3A_13 = tpu.iota {dimensions = array<i32: 0>} : vector<8x80xi32>
    %jit3A = arith.constant 10 : i32
    %div3A = vector.broadcast %jit3A : i32 to vector<8x80xi32>
    %div3A_14 = arith.divsi %iota3A, %div3A : vector<8x80xi32>
    %sign3A = arith.constant 0 : i32
    %sign3A_15 = vector.broadcast %sign3A : i32 to vector<8x80xi32>
    %sign3A_16 = arith.cmpi sgt, %iota3A, %sign3A_15 : vector<8x80xi32>
    %sign3A_17 = arith.extui %sign3A_16 : vector<8x80xi1> to vector<8x80xi32>
    %sign3A_18 = arith.constant 0 : i32
    %sign3A_19 = vector.broadcast %sign3A_18 : i32 to vector<8x80xi32>
    %sign3A_20 = arith.cmpi slt, %iota3A, %sign3A_19 : vector<8x80xi32>
    %sign3A_21 = arith.extui %sign3A_20 : vector<8x80xi1> to vector<8x80xi32>
    %sign3A_22 = arith.subi %sign3A_17, %sign3A_21 : vector<8x80xi32>
    %sign3A_23 = arith.constant 0 : i32
    %sign3A_24 = arith.cmpi sgt, %jit3A, %sign3A_23 : i32
    %sign3A_25 = arith.extui %sign3A_24 : i1 to i32
    %sign3A_26 = arith.constant 0 : i32
    %sign3A_27 = arith.cmpi slt, %jit3A, %sign3A_26 : i32
    %sign3A_28 = arith.extui %sign3A_27 : i1 to i32
    %sign3A_29 = arith.subi %sign3A_25, %sign3A_28 : i32
    %ne3A = vector.broadcast %sign3A_29 : i32 to vector<8x80xi32>
    %ne3A_30 = arith.cmpi ne, %sign3A_22, %ne3A : vector<8x80xi32>
    %rem3A = vector.broadcast %jit3A : i32 to vector<8x80xi32>
    %rem3A_31 = arith.remsi %iota3A, %rem3A : vector<8x80xi32>
    %ne3A_32 = arith.constant 0 : i32
    %ne3A_33 = vector.broadcast %ne3A_32 : i32 to vector<8x80xi32>
    %ne3A_34 = arith.cmpi ne, %rem3A_31, %ne3A_33 : vector<8x80xi32>
    %and3A = arith.andi %ne3A_30, %ne3A_34 : vector<8x80xi1>
    %sub3A = arith.constant 1 : i32
    %sub3A_35 = vector.broadcast %sub3A : i32 to vector<8x80xi32>
    %sub3A_36 = arith.subi %div3A_14, %sub3A_35 : vector<8x80xi32>
    %select_n3A = arith.select %and3A, %sub3A_36, %div3A_14 : vector<8x80xi1>, vector<8x80xi32>
    %eq3A = arith.cmpi eq, %iota3A_13, %select_n3A : vector<8x80xi32>
    %jit3A_37 = arith.constant 10 : i32
    %eq3A_38 = arith.constant 0 : i32
    %eq3A_39 = arith.cmpi eq, %jit3A_37, %eq3A_38 : i32
    %jit3A_40 = arith.constant 1 : i32
    %select_n3A_41 = arith.select %eq3A_39, %jit3A_40, %jit3A_37 : i32
    %rem3A_42 = vector.broadcast %select_n3A_41 : i32 to vector<8x80xi32>
    %rem3A_43 = arith.remsi %iota3A, %rem3A_42 : vector<8x80xi32>
    %ne3A_44 = arith.constant 0 : i32
    %ne3A_45 = vector.broadcast %ne3A_44 : i32 to vector<8x80xi32>
    %ne3A_46 = arith.cmpi ne, %rem3A_43, %ne3A_45 : vector<8x80xi32>
    %lt3A = arith.constant 0 : i32
    %lt3A_47 = vector.broadcast %lt3A : i32 to vector<8x80xi32>
    %lt3A_48 = arith.cmpi slt, %rem3A_43, %lt3A_47 : vector<8x80xi32>
    %lt3A_49 = arith.constant 0 : i32
    %lt3A_50 = arith.cmpi slt, %select_n3A_41, %lt3A_49 : i32
    %ne3A_51 = vector.broadcast %lt3A_50 : i1 to vector<8x80xi1>
    %ne3A_52 = vector.broadcast %ne3A_51 : vector<8x80xi1> to vector<8x80xi1>
    %ne3A_53 = arith.xori %lt3A_48, %ne3A_52 : vector<8x80xi1>
    %and3A_54 = arith.andi %ne3A_53, %ne3A_46 : vector<8x80xi1>
    %add3A_55 = vector.broadcast %select_n3A_41 : i32 to vector<8x80xi32>
    %add3A_56 = arith.addi %rem3A_43, %add3A_55 : vector<8x80xi32>
    %select_n3A_57 = arith.select %and3A_54, %add3A_56, %rem3A_43 : vector<8x80xi1>, vector<8x80xi32>
    %sub3A_58 = arith.constant 9 : i32
    %sub3A_59 = vector.broadcast %sub3A_58 : i32 to vector<8x80xi32>
    %sub3A_60 = arith.subi %sub3A_59, %select_n3A_57 : vector<8x80xi32>
    %shift_left3A = arith.constant 1 : i32
    %shift_left3A_61 = vector.broadcast %shift_left3A : i32 to vector<8x80xi32>
    %shift_left3A_62 = arith.shli %shift_left3A_61, %sub3A_60 : vector<8x80xi32>
    %jit3A_63 = arith.constant 0 : i32
    %broadcast_in_dim3A = vector.broadcast %jit3A_63 : i32 to vector<8x80xi32>
    %select_n3A_64 = arith.select %eq3A, %shift_left3A_62, %broadcast_in_dim3A : vector<8x80xi1>, vector<8x80xi32>
    %convert_element_type3A_65 = arith.sitofp %select_n3A_64 : vector<8x80xi32> to vector<8x80xf32>
    %dot_general3A_66 = arith.constant dense<0.000000e+00> : vector<8x8192xf32>
    %dot_general3A_67 = tpu.matmul %convert_element_type3A_65, %convert_element_type3A_12, %dot_general3A_66 {dimension_numbers = #tpu.dot_dimension_numbers<[1], [0], [0], [1], [0, 0, 1, 1], [], []>, transpose_lhs_hint = false} : vector<8x80xf32>, vector<80x8192xf32>, vector<8x8192xf32> -> vector<8x8192xf32>
    %iota3A_68 = tpu.iota {dimensions = array<i32: 0>} : vector<8x1xi32>
    %mul3A = arith.constant 1024 : i32
    %mul3A_69 = vector.broadcast %mul3A : i32 to vector<8x1xi32>
    %mul3A_70 = arith.muli %iota3A_68, %mul3A_69 : vector<8x1xi32>
    %convert_element_type3A_71 = arith.fptosi %dot_general3A_67 : vector<8x8192xf32> to vector<8x8192xi32>
    %add3A_72 = vector.broadcast %mul3A_70 : vector<8x1xi32> to vector<8x8192xi32>
    %add3A_73 = arith.addi %convert_element_type3A_71, %add3A_72 : vector<8x8192xi32>
    %swap3A = arith.constant 0 : index
    %swap3A_74 = arith.constant 0 : index
    %swap3A_75 = vector.load %arg5[%swap3A, %swap3A_74] : memref<8x8192xi32, #tpu.memory_space<vmem>>, vector<8x8192xi32>
    tpu.vector_store %arg5[%swap3A, %swap3A_74], %add3A_73 {strides = array<i32>} : memref<8x8192xi32, #tpu.memory_space<vmem>>, vector<8x8192xi32>,
    %eq3A_76 = arith.constant 0 : i32
    %eq3A_77 = arith.cmpi eq, %arg0, %eq3A_76 : i32
    %convert_element_type3A_78 = arith.extui %eq3A_77 : i1 to i32
    %cond3A = arith.constant 0 : i32
    %cond3A_79 = arith.cmpi ne, %convert_element_type3A_78, %cond3A : i32
    scf.if %cond3A_79 {
      %get3A_80 = arith.constant 0 : index
      %get3A_81 = arith.constant 257 : index
      %get3A_82 = vector.load %arg2[%get3A_80, %get3A_81] : memref<80x258xf32, #tpu.memory_space<vmem>>, vector<2x1xf32>
      %get3A_83 = arith.constant 0 : index
      %get3A_84 = arith.constant 0 : index
      %get3A_85 = vector.load %arg3[%get3A_83, %get3A_84] : memref<32x2xf32, #tpu.memory_space<vmem>>, vector<4x2xf32>
      %get3A_86 = arith.constant 0 : index
      %get3A_87 = arith.constant 0 : index
      %get3A_88 = arith.constant 0 : index
      %get3A_89 = vector.load %arg4[%get3A_86, %get3A_87, %get3A_88] : memref<8x4x1024xf32, #tpu.memory_space<vmem>>, vector<1x4x1024xf32>
      %get3A_90 = vector.shape_cast %get3A_89 : vector<1x4x1024xf32> to vector<4x1024xf32>
      %dot_general3A_91 = arith.constant dense<0.000000e+00> : vector<2x1024xf32>
      %dot_general3A_92 = tpu.matmul %get3A_85, %get3A_90, %dot_general3A_91 {dimension_numbers = #tpu.dot_dimension_numbers<[0], [0], [1], [1], [0, 1, 1, 1], [], []>, transpose_lhs_hint = false} : vector<4x2xf32>, vector<4x1024xf32>, vector<2x1024xf32> -> vector<2x1024xf32>
      %add3A_93 = vector.broadcast %get3A_82 : vector<2x1xf32> to vector<2x1024xf32>
      %add3A_94 = arith.addf %dot_general3A_92, %add3A_93 : vector<2x1024xf32>
      %convert_element_type3A_95 = arith.truncf %add3A_94 : vector<2x1024xf32> to vector<2x1024xbf16>
      %bitcast_convert_type3A = tpu.bitcast %convert_element_type3A_95 : vector<2x1024xbf16> -> vector<2x1024xi16>
      %convert_element_type3A_96 = arith.extui %bitcast_convert_type3A : vector<2x1024xi16> to vector<2x1024xi32>
      %slice3A = vector.extract_strided_slice %convert_element_type3A_96 {offsets = [0, 0], sizes = [1, 1024], strides = [1, 1]} : vector<2x1024xi32> to vector<1x1024xi32>
      %slice3A_97 = vector.extract_strided_slice %convert_element_type3A_96 {offsets = [1, 0], sizes = [1, 1024], strides = [1, 1]} : vector<2x1024xi32> to vector<1x1024xi32>
      %shift_left3A_98 = arith.constant 16 : i32
      %shift_left3A_99 = vector.broadcast %shift_left3A_98 : i32 to vector<1x1024xi32>
      %shift_left3A_100 = arith.shli %slice3A_97, %shift_left3A_99 : vector<1x1024xi32>
      %or3A = arith.ori %slice3A, %shift_left3A_100 : vector<1x1024xi32>
      %bitcast_convert_type3A_101 = tpu.bitcast %or3A : vector<1x1024xi32> -> vector<1x1024xi32>
      %swap3A_102 = arith.constant 0 : index
      %swap3A_103 = arith.constant 0 : index
      %swap3A_104 = vector.load %arg6[%swap3A_102, %swap3A_103] : memref<1x8192xi32, #tpu.memory_space<vmem>>, vector<1x1024xi32>
      tpu.vector_store %arg6[%swap3A_102, %swap3A_103], %bitcast_convert_type3A_101 {strides = array<i32>} : memref<1x8192xi32, #tpu.memory_space<vmem>>, vector<1x1024xi32>,
      %get3A_105 = arith.constant 4 : index
      %get3A_106 = arith.constant 0 : index
      %get3A_107 = vector.load %arg3[%get3A_105, %get3A_106] : memref<32x2xf32, #tpu.memory_space<vmem>>, vector<4x2xf32>
      %get3A_108 = arith.constant 1 : index
      %get3A_109 = arith.constant 0 : index
      %get3A_110 = arith.constant 0 : index
      %get3A_111 = vector.load %arg4[%get3A_108, %get3A_109, %get3A_110] : memref<8x4x1024xf32, #tpu.memory_space<vmem>>, vector<1x4x1024xf32>
      %get3A_112 = vector.shape_cast %get3A_111 : vector<1x4x1024xf32> to vector<4x1024xf32>
      %dot_general3A_113 = arith.constant dense<0.000000e+00> : vector<2x1024xf32>
      %dot_general3A_114 = tpu.matmul %get3A_107, %get3A_112, %dot_general3A_113 {dimension_numbers = #tpu.dot_dimension_numbers<[0], [0], [1], [1], [0, 1, 1, 1], [], []>, transpose_lhs_hint = false} : vector<4x2xf32>, vector<4x1024xf32>, vector<2x1024xf32> -> vector<2x1024xf32>
      %convert_element_type3A_115 = arith.truncf %dot_general3A_114 : vector<2x1024xf32> to vector<2x1024xbf16>
      %bitcast_convert_type3A_116 = tpu.bitcast %convert_element_type3A_115 : vector<2x1024xbf16> -> vector<2x1024xi16>
      %convert_element_type3A_117 = arith.extui %bitcast_convert_type3A_116 : vector<2x1024xi16> to vector<2x1024xi32>
      %slice3A_118 = vector.extract_strided_slice %convert_element_type3A_117 {offsets = [0, 0], sizes = [1, 1024], strides = [1, 1]} : vector<2x1024xi32> to vector<1x1024xi32>
      %slice3A_119 = vector.extract_strided_slice %convert_element_type3A_117 {offsets = [1, 0], sizes = [1, 1024], strides = [1, 1]} : vector<2x1024xi32> to vector<1x1024xi32>
      %shift_left3A_120 = arith.constant 16 : i32
      %shift_left3A_121 = vector.broadcast %shift_left3A_120 : i32 to vector<1x1024xi32>
      %shift_left3A_122 = arith.shli %slice3A_119, %shift_left3A_121 : vector<1x1024xi32>
      %or3A_123 = arith.ori %slice3A_118, %shift_left3A_122 : vector<1x1024xi32>
      %bitcast_convert_type3A_124 = tpu.bitcast %or3A_123 : vector<1x1024xi32> -> vector<1x1024xi32>
      %swap3A_125 = arith.constant 0 : index
      %swap3A_126 = arith.constant 1024 : index
      %swap3A_127 = vector.load %arg6[%swap3A_125, %swap3A_126] : memref<1x8192xi32, #tpu.memory_space<vmem>>, vector<1x1024xi32>
      tpu.vector_store %arg6[%swap3A_125, %swap3A_126], %bitcast_convert_type3A_124 {strides = array<i32>} : memref<1x8192xi32, #tpu.memory_space<vmem>>, vector<1x1024xi32>,
      %get3A_128 = arith.constant 8 : index
      %get3A_129 = arith.constant 0 : index
      %get3A_130 = vector.load %arg3[%get3A_128, %get3A_129] : memref<32x2xf32, #tpu.memory_space<vmem>>, vector<4x2xf32>
      %get3A_131 = arith.constant 2 : index
      %get3A_132 = arith.constant 0 : index
      %get3A_133 = arith.constant 0 : index
      %get3A_134 = vector.load %arg4[%get3A_131, %get3A_132, %get3A_133] : memref<8x4x1024xf32, #tpu.memory_space<vmem>>, vector<1x4x1024xf32>
      %get3A_135 = vector.shape_cast %get3A_134 : vector<1x4x1024xf32> to vector<4x1024xf32>
      %dot_general3A_136 = arith.constant dense<0.000000e+00> : vector<2x1024xf32>
      %dot_general3A_137 = tpu.matmul %get3A_130, %get3A_135, %dot_general3A_136 {dimension_numbers = #tpu.dot_dimension_numbers<[0], [0], [1], [1], [0, 1, 1, 1], [], []>, transpose_lhs_hint = false} : vector<4x2xf32>, vector<4x1024xf32>, vector<2x1024xf32> -> vector<2x1024xf32>
      %convert_element_type3A_138 = arith.truncf %dot_general3A_137 : vector<2x1024xf32> to vector<2x1024xbf16>
      %bitcast_convert_type3A_139 = tpu.bitcast %convert_element_type3A_138 : vector<2x1024xbf16> -> vector<2x1024xi16>
      %convert_element_type3A_140 = arith.extui %bitcast_convert_type3A_139 : vector<2x1024xi16> to vector<2x1024xi32>
      %slice3A_141 = vector.extract_strided_slice %convert_element_type3A_140 {offsets = [0, 0], sizes = [1, 1024], strides = [1, 1]} : vector<2x1024xi32> to vector<1x1024xi32>
      %slice3A_142 = vector.extract_strided_slice %convert_element_type3A_140 {offsets = [1, 0], sizes = [1, 1024], strides = [1, 1]} : vector<2x1024xi32> to vector<1x1024xi32>
      %shift_left3A_143 = arith.constant 16 : i32
      %shift_left3A_144 = vector.broadcast %shift_left3A_143 : i32 to vector<1x1024xi32>
      %shift_left3A_145 = arith.shli %slice3A_142, %shift_left3A_144 : vector<1x1024xi32>
      %or3A_146 = arith.ori %slice3A_141, %shift_left3A_145 : vector<1x1024xi32>
      %bitcast_convert_type3A_147 = tpu.bitcast %or3A_146 : vector<1x1024xi32> -> vector<1x1024xi32>
      %swap3A_148 = arith.constant 0 : index
      %swap3A_149 = arith.constant 2048 : index
      %swap3A_150 = vector.load %arg6[%swap3A_148, %swap3A_149] : memref<1x8192xi32, #tpu.memory_space<vmem>>, vector<1x1024xi32>
      tpu.vector_store %arg6[%swap3A_148, %swap3A_149], %bitcast_convert_type3A_147 {strides = array<i32>} : memref<1x8192xi32, #tpu.memory_space<vmem>>, vector<1x1024xi32>,
      %get3A_151 = arith.constant 12 : index
      %get3A_152 = arith.constant 0 : index
      %get3A_153 = vector.load %arg3[%get3A_151, %get3A_152] : memref<32x2xf32, #tpu.memory_space<vmem>>, vector<4x2xf32>
      %get3A_154 = arith.constant 3 : index
      %get3A_155 = arith.constant 0 : index
      %get3A_156 = arith.constant 0 : index
      %get3A_157 = vector.load %arg4[%get3A_154, %get3A_155, %get3A_156] : memref<8x4x1024xf32, #tpu.memory_space<vmem>>, vector<1x4x1024xf32>
      %get3A_158 = vector.shape_cast %get3A_157 : vector<1x4x1024xf32> to vector<4x1024xf32>
      %dot_general3A_159 = arith.constant dense<0.000000e+00> : vector<2x1024xf32>
      %dot_general3A_160 = tpu.matmul %get3A_153, %get3A_158, %dot_general3A_159 {dimension_numbers = #tpu.dot_dimension_numbers<[0], [0], [1], [1], [0, 1, 1, 1], [], []>, transpose_lhs_hint = false} : vector<4x2xf32>, vector<4x1024xf32>, vector<2x1024xf32> -> vector<2x1024xf32>
      %convert_element_type3A_161 = arith.truncf %dot_general3A_160 : vector<2x1024xf32> to vector<2x1024xbf16>
      %bitcast_convert_type3A_162 = tpu.bitcast %convert_element_type3A_161 : vector<2x1024xbf16> -> vector<2x1024xi16>
      %convert_element_type3A_163 = arith.extui %bitcast_convert_type3A_162 : vector<2x1024xi16> to vector<2x1024xi32>
      %slice3A_164 = vector.extract_strided_slice %convert_element_type3A_163 {offsets = [0, 0], sizes = [1, 1024], strides = [1, 1]} : vector<2x1024xi32> to vector<1x1024xi32>
      %slice3A_165 = vector.extract_strided_slice %convert_element_type3A_163 {offsets = [1, 0], sizes = [1, 1024], strides = [1, 1]} : vector<2x1024xi32> to vector<1x1024xi32>
      %shift_left3A_166 = arith.constant 16 : i32
      %shift_left3A_167 = vector.broadcast %shift_left3A_166 : i32 to vector<1x1024xi32>
      %shift_left3A_168 = arith.shli %slice3A_165, %shift_left3A_167 : vector<1x1024xi32>
      %or3A_169 = arith.ori %slice3A_164, %shift_left3A_168 : vector<1x1024xi32>
      %bitcast_convert_type3A_170 = tpu.bitcast %or3A_169 : vector<1x1024xi32> -> vector<1x1024xi32>
      %swap3A_171 = arith.constant 0 : index
      %swap3A_172 = arith.constant 3072 : index
      %swap3A_173 = vector.load %arg6[%swap3A_171, %swap3A_172] : memref<1x8192xi32, #tpu.memory_space<vmem>>, vector<1x1024xi32>
      tpu.vector_store %arg6[%swap3A_171, %swap3A_172], %bitcast_convert_type3A_170 {strides = array<i32>} : memref<1x8192xi32, #tpu.memory_space<vmem>>, vector<1x1024xi32>,
      %get3A_174 = arith.constant 16 : index
      %get3A_175 = arith.constant 0 : index
      %get3A_176 = vector.load %arg3[%get3A_174, %get3A_175] : memref<32x2xf32, #tpu.memory_space<vmem>>, vector<4x2xf32>
      %get3A_177 = arith.constant 4 : index
      %get3A_178 = arith.constant 0 : index
      %get3A_179 = arith.constant 0 : index
      %get3A_180 = vector.load %arg4[%get3A_177, %get3A_178, %get3A_179] : memref<8x4x1024xf32, #tpu.memory_space<vmem>>, vector<1x4x1024xf32>
      %get3A_181 = vector.shape_cast %get3A_180 : vector<1x4x1024xf32> to vector<4x1024xf32>
      %dot_general3A_182 = arith.constant dense<0.000000e+00> : vector<2x1024xf32>
      %dot_general3A_183 = tpu.matmul %get3A_176, %get3A_181, %dot_general3A_182 {dimension_numbers = #tpu.dot_dimension_numbers<[0], [0], [1], [1], [0, 1, 1, 1], [], []>, transpose_lhs_hint = false} : vector<4x2xf32>, vector<4x1024xf32>, vector<2x1024xf32> -> vector<2x1024xf32>
      %convert_element_type3A_184 = arith.truncf %dot_general3A_183 : vector<2x1024xf32> to vector<2x1024xbf16>
      %bitcast_convert_type3A_185 = tpu.bitcast %convert_element_type3A_184 : vector<2x1024xbf16> -> vector<2x1024xi16>
      %convert_element_type3A_186 = arith.extui %bitcast_convert_type3A_185 : vector<2x1024xi16> to vector<2x1024xi32>
      %slice3A_187 = vector.extract_strided_slice %convert_element_type3A_186 {offsets = [0, 0], sizes = [1, 1024], strides = [1, 1]} : vector<2x1024xi32> to vector<1x1024xi32>
      %slice3A_188 = vector.extract_strided_slice %convert_element_type3A_186 {offsets = [1, 0], sizes = [1, 1024], strides = [1, 1]} : vector<2x1024xi32> to vector<1x1024xi32>
      %shift_left3A_189 = arith.constant 16 : i32
      %shift_left3A_190 = vector.broadcast %shift_left3A_189 : i32 to vector<1x1024xi32>
      %shift_left3A_191 = arith.shli %slice3A_188, %shift_left3A_190 : vector<1x1024xi32>
      %or3A_192 = arith.ori %slice3A_187, %shift_left3A_191 : vector<1x1024xi32>
      %bitcast_convert_type3A_193 = tpu.bitcast %or3A_192 : vector<1x1024xi32> -> vector<1x1024xi32>
      %swap3A_194 = arith.constant 0 : index
      %swap3A_195 = arith.constant 4096 : index
      %swap3A_196 = vector.load %arg6[%swap3A_194, %swap3A_195] : memref<1x8192xi32, #tpu.memory_space<vmem>>, vector<1x1024xi32>
      tpu.vector_store %arg6[%swap3A_194, %swap3A_195], %bitcast_convert_type3A_193 {strides = array<i32>} : memref<1x8192xi32, #tpu.memory_space<vmem>>, vector<1x1024xi32>,
      %get3A_197 = arith.constant 20 : index
      %get3A_198 = arith.constant 0 : index
      %get3A_199 = vector.load %arg3[%get3A_197, %get3A_198] : memref<32x2xf32, #tpu.memory_space<vmem>>, vector<4x2xf32>
      %get3A_200 = arith.constant 5 : index
      %get3A_201 = arith.constant 0 : index
      %get3A_202 = arith.constant 0 : index
      %get3A_203 = vector.load %arg4[%get3A_200, %get3A_201, %get3A_202] : memref<8x4x1024xf32, #tpu.memory_space<vmem>>, vector<1x4x1024xf32>
      %get3A_204 = vector.shape_cast %get3A_203 : vector<1x4x1024xf32> to vector<4x1024xf32>
      %dot_general3A_205 = arith.constant dense<0.000000e+00> : vector<2x1024xf32>
      %dot_general3A_206 = tpu.matmul %get3A_199, %get3A_204, %dot_general3A_205 {dimension_numbers = #tpu.dot_dimension_numbers<[0], [0], [1], [1], [0, 1, 1, 1], [], []>, transpose_lhs_hint = false} : vector<4x2xf32>, vector<4x1024xf32>, vector<2x1024xf32> -> vector<2x1024xf32>
      %convert_element_type3A_207 = arith.truncf %dot_general3A_206 : vector<2x1024xf32> to vector<2x1024xbf16>
      %bitcast_convert_type3A_208 = tpu.bitcast %convert_element_type3A_207 : vector<2x1024xbf16> -> vector<2x1024xi16>
      %convert_element_type3A_209 = arith.extui %bitcast_convert_type3A_208 : vector<2x1024xi16> to vector<2x1024xi32>
      %slice3A_210 = vector.extract_strided_slice %convert_element_type3A_209 {offsets = [0, 0], sizes = [1, 1024], strides = [1, 1]} : vector<2x1024xi32> to vector<1x1024xi32>
      %slice3A_211 = vector.extract_strided_slice %convert_element_type3A_209 {offsets = [1, 0], sizes = [1, 1024], strides = [1, 1]} : vector<2x1024xi32> to vector<1x1024xi32>
      %shift_left3A_212 = arith.constant 16 : i32
      %shift_left3A_213 = vector.broadcast %shift_left3A_212 : i32 to vector<1x1024xi32>
      %shift_left3A_214 = arith.shli %slice3A_211, %shift_left3A_213 : vector<1x1024xi32>
      %or3A_215 = arith.ori %slice3A_210, %shift_left3A_214 : vector<1x1024xi32>
      %bitcast_convert_type3A_216 = tpu.bitcast %or3A_215 : vector<1x1024xi32> -> vector<1x1024xi32>
      %swap3A_217 = arith.constant 0 : index
      %swap3A_218 = arith.constant 5120 : index
      %swap3A_219 = vector.load %arg6[%swap3A_217, %swap3A_218] : memref<1x8192xi32, #tpu.memory_space<vmem>>, vector<1x1024xi32>
      tpu.vector_store %arg6[%swap3A_217, %swap3A_218], %bitcast_convert_type3A_216 {strides = array<i32>} : memref<1x8192xi32, #tpu.memory_space<vmem>>, vector<1x1024xi32>,
      %get3A_220 = arith.constant 24 : index
      %get3A_221 = arith.constant 0 : index
      %get3A_222 = vector.load %arg3[%get3A_220, %get3A_221] : memref<32x2xf32, #tpu.memory_space<vmem>>, vector<4x2xf32>
      %get3A_223 = arith.constant 6 : index
      %get3A_224 = arith.constant 0 : index
      %get3A_225 = arith.constant 0 : index
      %get3A_226 = vector.load %arg4[%get3A_223, %get3A_224, %get3A_225] : memref<8x4x1024xf32, #tpu.memory_space<vmem>>, vector<1x4x1024xf32>
      %get3A_227 = vector.shape_cast %get3A_226 : vector<1x4x1024xf32> to vector<4x1024xf32>
      %dot_general3A_228 = arith.constant dense<0.000000e+00> : vector<2x1024xf32>
      %dot_general3A_229 = tpu.matmul %get3A_222, %get3A_227, %dot_general3A_228 {dimension_numbers = #tpu.dot_dimension_numbers<[0], [0], [1], [1], [0, 1, 1, 1], [], []>, transpose_lhs_hint = false} : vector<4x2xf32>, vector<4x1024xf32>, vector<2x1024xf32> -> vector<2x1024xf32>
      %convert_element_type3A_230 = arith.truncf %dot_general3A_229 : vector<2x1024xf32> to vector<2x1024xbf16>
      %bitcast_convert_type3A_231 = tpu.bitcast %convert_element_type3A_230 : vector<2x1024xbf16> -> vector<2x1024xi16>
      %convert_element_type3A_232 = arith.extui %bitcast_convert_type3A_231 : vector<2x1024xi16> to vector<2x1024xi32>
      %slice3A_233 = vector.extract_strided_slice %convert_element_type3A_232 {offsets = [0, 0], sizes = [1, 1024], strides = [1, 1]} : vector<2x1024xi32> to vector<1x1024xi32>
      %slice3A_234 = vector.extract_strided_slice %convert_element_type3A_232 {offsets = [1, 0], sizes = [1, 1024], strides = [1, 1]} : vector<2x1024xi32> to vector<1x1024xi32>
      %shift_left3A_235 = arith.constant 16 : i32
      %shift_left3A_236 = vector.broadcast %shift_left3A_235 : i32 to vector<1x1024xi32>
      %shift_left3A_237 = arith.shli %slice3A_234, %shift_left3A_236 : vector<1x1024xi32>
      %or3A_238 = arith.ori %slice3A_233, %shift_left3A_237 : vector<1x1024xi32>
      %bitcast_convert_type3A_239 = tpu.bitcast %or3A_238 : vector<1x1024xi32> -> vector<1x1024xi32>
      %swap3A_240 = arith.constant 0 : index
      %swap3A_241 = arith.constant 6144 : index
      %swap3A_242 = vector.load %arg6[%swap3A_240, %swap3A_241] : memref<1x8192xi32, #tpu.memory_space<vmem>>, vector<1x1024xi32>
      tpu.vector_store %arg6[%swap3A_240, %swap3A_241], %bitcast_convert_type3A_239 {strides = array<i32>} : memref<1x8192xi32, #tpu.memory_space<vmem>>, vector<1x1024xi32>,
      %get3A_243 = arith.constant 28 : index
      %get3A_244 = arith.constant 0 : index
      %get3A_245 = vector.load %arg3[%get3A_243, %get3A_244] : memref<32x2xf32, #tpu.memory_space<vmem>>, vector<4x2xf32>
      %get3A_246 = arith.constant 7 : index
      %get3A_247 = arith.constant 0 : index
      %get3A_248 = arith.constant 0 : index
      %get3A_249 = vector.load %arg4[%get3A_246, %get3A_247, %get3A_248] : memref<8x4x1024xf32, #tpu.memory_space<vmem>>, vector<1x4x1024xf32>
      %get3A_250 = vector.shape_cast %get3A_249 : vector<1x4x1024xf32> to vector<4x1024xf32>
      %dot_general3A_251 = arith.constant dense<0.000000e+00> : vector<2x1024xf32>
      %dot_general3A_252 = tpu.matmul %get3A_245, %get3A_250, %dot_general3A_251 {dimension_numbers = #tpu.dot_dimension_numbers<[0], [0], [1], [1], [0, 1, 1, 1], [], []>, transpose_lhs_hint = false} : vector<4x2xf32>, vector<4x1024xf32>, vector<2x1024xf32> -> vector<2x1024xf32>
      %convert_element_type3A_253 = arith.truncf %dot_general3A_252 : vector<2x1024xf32> to vector<2x1024xbf16>
      %bitcast_convert_type3A_254 = tpu.bitcast %convert_element_type3A_253 : vector<2x1024xbf16> -> vector<2x1024xi16>
      %convert_element_type3A_255 = arith.extui %bitcast_convert_type3A_254 : vector<2x1024xi16> to vector<2x1024xi32>
      %slice3A_256 = vector.extract_strided_slice %convert_element_type3A_255 {offsets = [0, 0], sizes = [1, 1024], strides = [1, 1]} : vector<2x1024xi32> to vector<1x1024xi32>
      %slice3A_257 = vector.extract_strided_slice %convert_element_type3A_255 {offsets = [1, 0], sizes = [1, 1024], strides = [1, 1]} : vector<2x1024xi32> to vector<1x1024xi32>
      %shift_left3A_258 = arith.constant 16 : i32
      %shift_left3A_259 = vector.broadcast %shift_left3A_258 : i32 to vector<1x1024xi32>
      %shift_left3A_260 = arith.shli %slice3A_257, %shift_left3A_259 : vector<1x1024xi32>
      %or3A_261 = arith.ori %slice3A_256, %shift_left3A_260 : vector<1x1024xi32>
      %bitcast_convert_type3A_262 = tpu.bitcast %or3A_261 : vector<1x1024xi32> -> vector<1x1024xi32>
      %swap3A_263 = arith.constant 0 : index
      %swap3A_264 = arith.constant 7168 : index
      %swap3A_265 = vector.load %arg6[%swap3A_263, %swap3A_264] : memref<1x8192xi32, #tpu.memory_space<vmem>>, vector<1x1024xi32>
      tpu.vector_store %arg6[%swap3A_263, %swap3A_264], %bitcast_convert_type3A_262 {strides = array<i32>} : memref<1x8192xi32, #tpu.memory_space<vmem>>, vector<1x1024xi32>,
    } else {
    }
    return
  }
  func.func @transform_0(%arg0: i32) -> (i32, i32) {
    %c0_i32 = arith.constant 0 : i32
    %c0_i32_0 = arith.constant 0 : i32
    return %arg0, %c0_i32 : i32, i32
  }
  func.func @transform_1(%arg0: i32) -> (i32, i32) {
    %c0_i32 = arith.constant 0 : i32
    %c0_i32_0 = arith.constant 0 : i32
    %c0_i32_1 = arith.constant 0 : i32
    return %c0_i32, %c0_i32_0 : i32, i32
  }
  func.func @transform_2(%arg0: i32) -> (i32, i32) {
    %c0_i32 = arith.constant 0 : i32
    %c0_i32_0 = arith.constant 0 : i32
    %c0_i32_1 = arith.constant 0 : i32
    return %c0_i32, %c0_i32_0 : i32, i32
  }
  func.func @transform_3(%arg0: i32) -> (i32, i32, i32) {
    %c0_i32 = arith.constant 0 : i32
    %c0_i32_0 = arith.constant 0 : i32
    %c0_i32_1 = arith.constant 0 : i32
    %c0_i32_2 = arith.constant 0 : i32
    return %c0_i32, %c0_i32_0, %c0_i32_1 : i32, i32, i32
  }
  func.func @transform_4(%arg0: i32) -> (i32, i32) {
    %c0_i32 = arith.constant 0 : i32
    %c0_i32_0 = arith.constant 0 : i32
    return %c0_i32, %arg0 : i32, i32
  }
  func.func @transform_5(%arg0: i32) -> (i32, i32) {
    %c0_i32 = arith.constant 0 : i32
    %c0_i32_0 = arith.constant 0 : i32
    %c0_i32_1 = arith.constant 0 : i32
    return %c0_i32, %c0_i32_0 : i32, i32
  }
}

</mosaic_0001>

<sc_bundles>
// kernel: kernel.4.cloned.1.call-start
scs
__scs_entry_jumppad:
0x0: {  	(pc) =	sbr.rel $0x88, $3  }
0x1: {  	(tag) =	ssettag $0x0;
	lr =	simm.s32 $0x1  }
0x2: {  	[smem:$0x3F9B] =	sst lr;
	_ =	strace $0xD0000000  }
0x3: {  	_ = 	snop  }
0x4: {  	_ = 	snop  }
0x5: {  	_ = 	snop  }
0x6: {  	_ = 	snop  }
0x7: {  	_ = 	snop  }
__scs_overlays_trampoline_lowered:
0x8: {  	[smem:$0x3FAA] =	sst s0  }
0x9: {  	[smem:$0x3FAB] =	sst s1  }
0xa: {  	[smem:$0x3FAC] =	sst s2  }
0xb: {  	[smem:$0x3FAD] =	sst s3  }
0xc: {  	[smem:$0x3FAE] =	sst s4  }
0xd: {  	[smem:$0x3FAF] =	sst s5  }
0xe: {  	[smem:$0x3FB0] =	sst s6  }
0xf: {  	[smem:$0x3FB1] =	sst s7  }
0x10: {  	[smem:$0x3FB2] =	sst s8  }
0x11: {  	[smem:$0x3FB3] =	sst s9;
	s0 =	simm.s32 @!p0 $0x0  }
0x12: {  	s1 =	sld [smem:$0x3F99];
	s0 =	simm.s32 @p0 $0x1  }
0x13: {  	[smem:$0x3FB4] =	sst s0;
	s0 =	simm.s32 @!p1 $0x0  }
0x14: {  	s2 =	sld [smem:$0x3F98];
	s0 =	simm.s32 @p1 $0x1  }
0x15: {  	[smem:$0x3FB5] =	sst s0;
	s0 =	simm.s32 @!p2 $0x0  }
0x16: {  	s3 =	sld [smem:$0x3FDB];
	s0 =	simm.s32 @p2 $0x1  }
0x17: {  	s4 =	simm.s32 $0x1BF5;
	[smem:$0x3FB7] =	sst s0  }
0x18: {  	s0 =	sld [smem:$0x3F9A];
	_ =	swait.ge [sflag:s4], $0x0  }
0x19: {  	s7 =	sld [smem:$0x3F9B]  }
0x1a: {  	s8 =	sadd.s32 $0xFFFFE003, lr  }
0x1b: {  	s9 =	sadd.s32 $0xFFFFFEF7, lr;
	s5 =	simm.s32 $0xFFFFFFFF;
	p2 =	slt.u32 s8, $0xFFFFF086  }
0x1c: {  	p1 =	slt.u32 s9, $0xF7A;
	s5 =	simm.s32 @!p2 $0x0  }
0x1d: {  	s5 =	simm.s32 @p1 $0x1;
	p0 =	seq.s32 s7, s2  }
0x1e: {  	s7 =	smul.u32 @!p0 $0xF7A, s2;
	p2 =	seq.s32 @!p0 s5, $0x0  }
0x1f: {  	s9 =	smul.u32 $0xF7A, s1;
	s8 =	simm.s32 @!p0 $0x1BF5;
	p2 =	por !p2, p0  }
0x20: {  	[sflag:s8] =	ssyncset.s32 @!p0 $0xFFFFF086;
	s6 =	sadd.s32 @!p0 s3, s7;
	s7 =	simm.s32 @!p0 $0x108  }
0x21: {  	s3 =	sadd.s32 s3, s9;
	s6 =	sadd.s32 @!p0 $0x88, s6;
	s7 =	simm.s32 @p2 $0x1082  }
0x22: {  	[simem:s7], [sflag:s8] =	dma.local @!p0 [hbm:s6], $0xF7A  }
0x23: {  	s9 =	sor.u32 $0xD0000000, s2;
	s6 =	simm.s32 $0x108;
	_ =	swait.ge @!p0 [sflag:s8], $0x0  }
0x24: {  	s3 =	sadd.s32 $0x88, s3;
	s6 =	simm.s32 @!p1 $0x1082;
	[sflag:s4] =	ssyncset.s32 $0xFFFFF086  }
0x25: {  	[simem:s6], [sflag:s4] =	dma.local [hbm:s3], $0xF7A  }
0x26: {  	[smem:$0x3F9B] =	sst s1;
	(tag) =	ssettag s2;
	_ =	strace s9  }
0x27: {  	s1 =	sld [smem:$0x3FAB]  }
0x28: {  	s2 =	sld [smem:$0x3FAC]  }
0x29: {  	s4 =	sld [smem:$0x3FAE]  }
0x2a: {  	p0 =	seq.s32 s5, $0x0;
	s5 =	sld [smem:$0x3FAF]  }
0x2b: {  	s6 =	sld [smem:$0x3FB0]  }
0x2c: {  	s7 =	sld [smem:$0x3FB1]  }
0x2d: {  	s3 =	simm.s32 $0x108;
	s8 =	sld [smem:$0x3FB2]  }
0x2e: {  	s3 =	simm.s32 @!p0 $0x1082;
	s9 =	sld [smem:$0x3FB3]  }
0x2f: {  	lr =	sadd.s32 s0, s3;
	s0 =	sld [smem:$0x3FAA]  }
0x30: {  	s3 =	sld [smem:$0x3FAD]  }
0x31: {  	[smem:$0x3FB6] =	sst s10  }
0x32: {  	s10 =	sld [smem:$0x3FB4];
	_ =	sdelay $0x3  }
0x33: {  	p0 =	seq.s32 s10, $0x1;
	s10 =	sld [smem:$0x3FB6];
	_ =	sdelay $0x3  }
0x34: {  	[smem:$0x3FB6] =	sst s10  }
0x35: {  	s10 =	sld [smem:$0x3FB5];
	_ =	sdelay $0x3  }
0x36: {  	p1 =	seq.s32 s10, $0x1;
	s10 =	sld [smem:$0x3FB6];
	_ =	sdelay $0x3  }
0x37: {  	[smem:$0x3FB6] =	sst s10  }
0x38: {  	s10 =	sld [smem:$0x3FB7]  }
0x39: {  	_ = 	snop;
	(pc) =	sbr.ind lr, $3  }
0x3a: {  	_ = 	snop  }
0x3b: {  	_ = 	snop  }
0x3c: {  	p2 =	seq.s32 s10, $0x1;
	s10 =	sld [smem:$0x3FB6]  }
0x3d: {  	_ =	shalt  }
0x3e: {  	_ =	shalt  }
0x3f: {  	_ =	shalt  }
0x40: {  	_ =	shalt  }
0x41: {  	_ =	shalt  }
0x42: {  	_ =	shalt  }
0x43: {  	_ =	shalt  }
0x44: {  	_ =	shalt  }
0x45: {  	_ =	shalt  }
0x46: {  	_ =	shalt  }
0x47: {  	_ =	shalt  }
0x48: {  	_ =	shalt  }
0x49: {  	_ =	shalt  }
0x4a: {  	_ =	shalt  }
0x4b: {  	_ =	shalt  }
0x4c: {  	_ =	shalt  }
0x4d: {  	_ =	shalt  }
0x4e: {  	_ =	shalt  }
0x4f: {  	_ =	shalt  }
0x50: {  	_ =	shalt  }
0x51: {  	_ =	shalt  }
0x52: {  	_ =	shalt  }
0x53: {  	_ =	shalt  }
0x54: {  	_ =	shalt  }
0x55: {  	_ =	shalt  }
0x56: {  	_ =	shalt  }
0x57: {  	_ =	shalt  }
0x58: {  	_ =	shalt  }
0x59: {  	_ =	shalt  }
0x5a: {  	_ =	shalt  }
0x5b: {  	_ =	shalt  }
0x5c: {  	_ =	shalt  }
0x5d: {  	_ =	shalt  }
0x5e: {  	_ =	shalt  }
0x5f: {  	_ =	shalt  }
0x60: {  	_ =	shalt  }
0x61: {  	_ =	shalt  }
0x62: {  	_ =	shalt  }
0x63: {  	_ =	shalt  }
0x64: {  	_ =	shalt  }
0x65: {  	_ =	shalt  }
0x66: {  	_ =	shalt  }
0x67: {  	_ =	shalt  }
0x68: {  	_ =	shalt  }
0x69: {  	_ =	shalt  }
0x6a: {  	_ =	shalt  }
0x6b: {  	_ =	shalt  }
0x6c: {  	_ =	shalt  }
0x6d: {  	_ =	shalt  }
0x6e: {  	_ =	shalt  }
0x6f: {  	_ =	shalt  }
0x70: {  	_ =	shalt  }
0x71: {  	_ =	shalt  }
0x72: {  	_ =	shalt  }
0x73: {  	_ =	shalt  }
0x74: {  	_ =	shalt  }
0x75: {  	_ =	shalt  }
0x76: {  	_ =	shalt  }
0x77: {  	_ =	shalt  }
0x78: {  	_ =	shalt  }
0x79: {  	_ =	shalt  }
0x7a: {  	_ =	shalt  }
0x7b: {  	_ =	shalt  }
0x7c: {  	_ =	shalt  }
0x7d: {  	_ =	shalt  }
0x7e: {  	_ =	shalt  }
0x7f: {  	_ =	shalt  }
0x80: {  	_ =	shalt  }
0x81: {  	_ =	shalt  }
0x82: {  	_ =	shalt  }
0x83: {  	_ =	shalt  }
0x84: {  	_ =	shalt  }
0x85: {  	_ =	shalt  }
0x86: {  	_ =	shalt  }
0x87: {  	_ =	shalt  }
.Lfunc_end0:
.L_simem_size_0:
called_computation_lowered:
.L_overlay_start_0:
0x88: {  	s2 =	sld [smem:$0x3FD9]  }
0x89: {  	s3 =	sld [smem:$0x3FFE];
	_ =	sdelay $0x1  }
0x8a: {  	s1 =	srdreg.scid  }
0x8b: {  	s0 =	sand.u32 $0x1, s1  }
0x8c: {  	s17 =	sshll.u32 s0, $0xA;
	s2 =	sadd.s32 s3, s2  }
0x8d: {  	s2 =	sadd.s32 s2, s17  }
0x8e: {  	[smem:$0x3FC2] =	sst s2  }
0x8f: {  	_ = 	snop  }
0x90: {  	s2 =	sld [smem:$0x3FD0];
	(tm) =	ssettm $0x1  }
0x91: {  	s18 =	sld [smem:$0x3FFB];
	_ =	sdelay $0x3  }
0x92: {  	_ =	strace s18  }
0x93: {  	s3 =	sld [smem:$0x3FFC];
	_ =	sdelay $0x3  }
0x94: {  	_ =	strace s3  }
0x95: {  	s3 =	sld [smem:$0x3FFD];
	_ =	sdelay $0x3  }
0x96: {  	_ =	strace s3  }
0x97: {  	_ =	strace $0x8FFFFFFF  }
0x98: {  	s19 =	sld [smem:$0x3FDB];
	_ =	sdelay $0x1  }
0x99: {  	s4 =	simm.s32 $_scs_section_size  }
0x9a: {  	s5 =	simm.s32 $_size__tile_overlayer_lowered;
	s6 =	simm.s32 $_tile_overlayer_lowered  }
0x9b: {  	s22 =	simm.s32 $0x1BFF;
	s21 =	sshll.u32 s6, $0x1;
	s3 =	sadd.s32 s4, s19  }
0x9c: {  	s7 =	simm.s32 $0x0;
	s20 =	sshll.u32 s5, $0x1;
	s5 =	sadd.s32 s21, s3  }
0x9d: {  	[timem:s7], [sflag:s22] =	dma.local [hbm:s5], s20  }
0x9e: {  	_ =	swait.ge [sflag:s22], s20  }
0x9f: {  	s4 =	ssub.s32 $0x0, s20;
	[sflag:s22] =	ssyncset.done $0x0  }
0xa0: {  	[sflag:s22] =	ssyncadd.s32 s4;
	_ =	sdelay $0x1  }
0xa1: {  	s23 =	simm.s32 $0x1B8B  }
0xa2: {  	_ =	swait.ge [sflag:s23], $0x1  }
0xa3: {  	[sflag:s23] =	ssyncset.done $0x0  }
0xa4: {  	s25 =	simm.s32 $0x1B8E;
	s24 =	sld [smem:$0x3FFE];
	[sflag:s23] =	ssyncadd.s32 $0xFFFFFFFF  }
0xa5: {  	s26 =	simm.s32 $execute0_lowered;
	[smem:$0x3FD2] =	sst s25  }
0xa6: {  	s5 =	sshll.u32 s26, $0x1;
	_ =	strace $0x80000046;
	[dreg:$0x1] =	wrdreg $0xFFFFFFFF  }
0xa7: {  	s28 =	simm.s32 $_size_execute0_lowered;
	s3 =	sadd.s32 s3, s5;
	[dreg:$0x0] =	wrdreg $0x0  }
0xa8: {  	s5 =	sshll.u32 s28, $0x1;
	[dreg:$0x2] =	wrdreg s3  }
0xa9: {  	[dreg:$0x3] =	wrdreg s5  }
0xaa: {  	[dreg:$0x4] =	wrdreg $0xC0  }
0xab: {  	_ =	task [dreg:s7], $0x5FFFF  }
0xac: {  	[dreg:$0x1] =	wrdreg $0xFFFFFFFF  }
0xad: {  	[dreg:$0x0] =	wrdreg $0x60  }
0xae: {  	[dreg:$0x2] =	wrdreg s24  }
0xaf: {  	[dreg:$0x3] =	wrdreg s2  }
0xb0: {  	[dreg:$0x4] =	wrdreg $0x9  }
0xb1: {  	_ =	task.clear_ibuf [dreg:s7], $0x5FFFF;
	_ =	strace $0x90000046  }
0xb2: {  	s29 =	simm.s32 $0x9;
	_ =	strace $0x80000048  }
0xb3: {  	_ =	swait.ge [sflag:s29], $0x1  }
0xb4: {  	[sflag:s29] =	ssyncadd.s32 $0xFFFFFFFF  }
0xb5: {  	_ =	strace $0x90000048  }
0xb6: {  	_ =	sfence  }
0xb7: {  	s30 =	sld [smem:$0x0];
	_ =	sdelay $0x2  }
0xb8: {  	s31 =	sshll.u32 s1, $0xD;
	s1 =	sshrl.u32 s1, $0x2  }
0xb9: {  	s3 =	sand.u32 $0x4000, s31;
	s1 =	sadd.s32 s1, s30  }
0xba: {  	s0 =	sor.u32 s3, s0;
	s1 =	sshll.u32 s1, $0x11  }
0xbb: {  	s0 =	sor.u32 s1, s0  }
0xbc: {  	s0 =	sadd.s32 $0x8F2B, s0  }
0xbd: {  	[sflag:s0] =	ssyncadd.remote.s32 $0x1  }
0xbe: {  	_ =	sfence.sel $0xFFFF  }
0xbf: {  	[dreg:$0x0] =	wrdreg $0xFFFFFFFF;
	(pc) =	sbr.abs _section_cstart, $3  }
0xc0: {  	[dreg:$0x1] =	wrdreg $0xFFFFFFFF  }
0xc1: {  	_ =	task.clear_ibuf [dreg:s7], $0x2FFFF;
	_ =	strace $0x9FFFFFFF  }
0xc2: {  	(tm) =	ssettm $0x7FFFFFFF  }
0xc3: {  	_ =	shalt  }
tec
execute0_lowered:
.L_overlay_start_1:
0x0: {  	(tag) =	ssettag $0x1  }
0x1: {  	s4 =	rddreg [dreg:$0x0]  }
0x2: {  	s5 =	rddreg [dreg:$0x1]  }
0x3: {  	s0 =	rddreg [dreg:$0x2]  }
0x4: {  	s2 =	simm.s32 $0x0;
	s3 =	srdreg.scid;
	s1 =	stileid.u32  }
0x5: {  	s9 =	simm.s32 $0x2;
	s10 =	simm.s32 $0x3000;
	s11 =	simm.s32 $0x3  }
0x6: {  	s12 =	simm.s32 $0x0;
	[smem:$0x7FF] =	sst s2;
	s3 =	sand.u32 $0x1, s3  }
0x7: {  	s6 =	sshll.u32 s1, $0xA;
	s7 =	sshll.u32 s3, $0x9;
	s8 =	ssub.s32 $0x2, s3  }
0x8: {  	_ =	strace $0x80000047;
	s6 =	sor.u32 s7, s6;
	s31 =	sshrl.u32 s8, $0x1  }
0x9: {  	s3 =	sadd.s32 $0x4E00, s4;
	s4 =	sadd.s32 s6, s4;
	s7 =	ssub.s32 s8, s31  }
0xa: {  	s6 =	sshrl.u32 s6, $0x2;
	s8 =	simm.s32 $0x1;
	s4 =	sadd.s32 $0xE00, s4  }
0xb: {  	s5 =	sadd.s32 s5, s6;
	s6 =	smax.u32 s7, $0x1;
	s7 =	simm.s32 $0x2000  }
.LBB2_1:
0xc: {  	[tilespmem:s2], [sflag:$0x1] =	stream.linear.gather [hbm4b:s3+s2], $0x2000, $0x38;
	[tilespmem:$0x3400] =	vst v63  }
0xd: {  	_ = 	snop  }
0xe: {  	[tilespmem:s7], [sflag:$0x2] =	stream.linear.gather [hbm4b:s4+s2], $0x1000, $0x38;
	[tilespmem:$0x3400] =	vst v63  }
0xf: {  	_ =	swait.ge [sflag:s8], $0x2000  }
0x10: {  	[sflag:s8] =	ssyncset.done $0x0  }
0x11: {  	[sflag:s8] =	ssyncadd.s32 $0xFFFFE000  }
0x12: {  	s13 =	simm.s32 $0x0;
	_ =	swait.ge [sflag:s9], $0x1000  }
0x13: {  	s16 =	sand.u32 $0x70, s2;
	s13 =	sand.u32 $0x3FFFFC00, s13;
	[sflag:s9] =	ssyncset.done $0x0  }
0x14: {  	s13 =	sor.u32 s16, s13;
	[sflag:s9] =	ssyncadd.s32 $0xFFFFF000  }
0x15: {  	v0 =	vld [tilespmem:s13+$0x2000];
	_ =	sdelay $0x1  }
0x16: {  	v1 =	vld [tilespmem:s13+$0x2080];
	_ =	sdelay $0x1  }
0x17: {  	v2 =	vld [tilespmem:s13+$0x2100];
	_ =	sdelay $0x1  }
0x18: {  	v3 =	vld [tilespmem:s13+$0x2180]  }
0x19: {  	v4 =	vld [tilespmem:s13+$0x2200]  }
0x1a: {  	v0 =	vld.idx.msk [tilespmem:v0+s2+$0x0], $0xffff  }
0x1b: {  	v5 =	vld [tilespmem:s13+$0x2280]  }
0x1c: {  	v1 =	vld.idx.msk [tilespmem:v1+s2+$0x0], $0xffff  }
0x1d: {  	v6 =	vld [tilespmem:s13+$0x2300]  }
0x1e: {  	v2 =	vld.idx.msk [tilespmem:v2+s2+$0x0], $0xffff  }
0x1f: {  	v7 =	vld [tilespmem:s13+$0x2380];
	v8 =	vshll.u32 v0, $0x10;
	v0 =	vand.u32 $0xFFFF0000, v0  }
0x20: {  	v3 =	vld.idx.msk [tilespmem:v3+s2+$0x0], $0xffff;
	v8 =	vadd.f32 $0.0e+00, v8;
	v0 =	vadd.f32 $0.0e+00, v0  }
0x21: {  	v9 =	vshll.u32 v1, $0x10;
	v1 =	vand.u32 $0xFFFF0000, v1  }
0x22: {  	v4 =	vld.idx.msk [tilespmem:v4+s2+$0x0], $0xffff;
	v8 =	vadd.f32 v9, v8;
	v0 =	vadd.f32 v1, v0  }
0x23: {  	v1 =	vshll.u32 v2, $0x10;
	v2 =	vand.u32 $0xFFFF0000, v2  }
0x24: {  	v5 =	vld.idx.msk [tilespmem:v5+s2+$0x0], $0xffff;
	v1 =	vadd.f32 v1, v8;
	v0 =	vadd.f32 v2, v0  }
0x25: {  	v2 =	vshll.u32 v3, $0x10;
	v3 =	vand.u32 $0xFFFF0000, v3  }
0x26: {  	v6 =	vld.idx.msk [tilespmem:v6+s2+$0x0], $0xffff;
	v1 =	vadd.f32 v2, v1;
	v0 =	vadd.f32 v3, v0  }
0x27: {  	v2 =	vshll.u32 v4, $0x10;
	v3 =	vand.u32 $0xFFFF0000, v4  }
0x28: {  	v63 =	vld.idx.msk [tilespmem:v7+s2+$0x0], $0xffff;
	v1 =	vadd.f32 v2, v1;
	v0 =	vadd.f32 v3, v0  }
0x29: {  	v2 =	vshll.u32 v5, $0x10;
	v3 =	vand.u32 $0xFFFF0000, v5  }
0x2a: {  	v1 =	vadd.f32 v2, v1;
	v0 =	vadd.f32 v3, v0  }
0x2b: {  	v2 =	vshll.u32 v6, $0x10;
	v3 =	vand.u32 $0xFFFF0000, v6  }
0x2c: {  	v1 =	vadd.f32 v2, v1;
	v2 =	vadd.f32 v3, v0  }
0x2d: {  	s14 =	simm.s32 $0x0;
	v0 =	vshll.u32 v63, $0x10;
	v3 =	vand.u32 $0xFFFF0000, v63  }
0x2e: {  	s18 =	simm.s32 $0x80;
	s15 =	simm.s32 $0x2;
	s17 =	sand.u32 $0x3FFFFF00, s14;
	v0 =	vadd.f32 v0, v1;
	v1 =	vadd.f32 v3, v2  }
0x2f: {  	s14 =	simm.s32 $0x10;
	s17 =	sor.u32 s16, s17;
	s13 =	simm.s32 $0x1  }
.LBB2_2:
0x30: {  	p0 =	sne.s32 s15, $0x1F;
	s16 =	sand.u32 $0x70, s14;
	s18 =	sand.u32 $0x3FFFFC00, s18;
	[tilespmem:s17+$0x3080] =	vst v1  }
0x31: {  	s18 =	sor.u32 s16, s18;
	[tilespmem:s17+$0x3000] =	vst v0  }
0x32: {  	v0 =	vld [tilespmem:s18+$0x2000]  }
0x33: {  	v1 =	vld [tilespmem:s18+$0x2100]  }
0x34: {  	v2 =	vld [tilespmem:s18+$0x2080]  }
0x35: {  	v3 =	vld [tilespmem:s18+$0x2180]  }
0x36: {  	v4 =	vld [tilespmem:s18+$0x2200]  }
0x37: {  	v5 =	vld [tilespmem:s18+$0x2280]  }
0x38: {  	v6 =	vld [tilespmem:s18+$0x2300]  }
0x39: {  	v7 =	vld [tilespmem:s18+$0x2380]  }
0x3a: {  	v0 =	vld.idx.msk [tilespmem:v0+s2+$0x0], $0xffff;
	_ =	sdelay $0x1  }
0x3b: {  	v2 =	vld.idx.msk [tilespmem:v2+s2+$0x0], $0xffff;
	_ =	sdelay $0x1  }
0x3c: {  	v1 =	vld.idx.msk [tilespmem:v1+s2+$0x0], $0xffff;
	_ =	sdelay $0x1  }
0x3d: {  	v8 =	vshll.u32 v0, $0x10;
	v0 =	vand.u32 $0xFFFF0000, v0;
	v3 =	vld.idx.msk [tilespmem:v3+s2+$0x0], $0xffff  }
0x3e: {  	v8 =	vadd.f32 $0.0e+00, v8;
	v0 =	vadd.f32 $0.0e+00, v0  }
0x3f: {  	v9 =	vshll.u32 v2, $0x10;
	v2 =	vand.u32 $0xFFFF0000, v2;
	v4 =	vld.idx.msk [tilespmem:v4+s2+$0x0], $0xffff  }
0x40: {  	v8 =	vadd.f32 v9, v8;
	v0 =	vadd.f32 v2, v0  }
0x41: {  	v2 =	vshll.u32 v1, $0x10;
	v1 =	vand.u32 $0xFFFF0000, v1;
	v5 =	vld.idx.msk [tilespmem:v5+s2+$0x0], $0xffff  }
0x42: {  	v2 =	vadd.f32 v2, v8;
	v0 =	vadd.f32 v1, v0  }
0x43: {  	v1 =	vshll.u32 v3, $0x10;
	v3 =	vand.u32 $0xFFFF0000, v3;
	v6 =	vld.idx.msk [tilespmem:v6+s2+$0x0], $0xffff  }
0x44: {  	v1 =	vadd.f32 v1, v2;
	v0 =	vadd.f32 v3, v0  }
0x45: {  	v2 =	vshll.u32 v4, $0x10;
	v3 =	vand.u32 $0xFFFF0000, v4;
	v4 =	vld.idx.msk [tilespmem:v7+s2+$0x0], $0xffff  }
0x46: {  	v1 =	vadd.f32 v2, v1;
	v0 =	vadd.f32 v3, v0  }
0x47: {  	v2 =	vshll.u32 v5, $0x10;
	v3 =	vand.u32 $0xFFFF0000, v5  }
0x48: {  	v1 =	vadd.f32 v2, v1;
	v0 =	vadd.f32 v3, v0  }
.Ltmp0:
0x49: {  	v2 =	vshll.u32 v6, $0x10;
	v3 =	vand.u32 $0xFFFF0000, v6;
	(pc) =	sbr.rel @p0 .LBB2_2-.Ltmp0, $4  }
0x4a: {  	v1 =	vadd.f32 v2, v1;
	v2 =	vadd.f32 v3, v0  }
0x4b: {  	s17 =	sshll.u32 s13, $0x5;
	s13 =	smov.u32 s15;
	v0 =	vshll.u32 v4, $0x10;
	v3 =	vand.u32 $0xFFFF0000, v4  }
0x4c: {  	s14 =	sadd.s32 $0x10, s14;
	s17 =	sand.u32 $0x3FFFFF00, s17;
	v0 =	vadd.f32 v0, v1;
	v1 =	vadd.f32 v3, v2  }
0x4d: {  	s15 =	sadd.s32 $0x1, s15;
	s17 =	sor.u32 s16, s17;
	s18 =	sshll.u32 s13, $0x7  }
0x4e: {  	s14 =	sand.u32 $0x70, s14;
	s15 =	sand.u32 $0x3FFFFC00, s18;
	[tilespmem:s17+$0x3080] =	vst v1  }
0x4f: {  	[tilespmem:s17+$0x3000] =	vst v0;
	s15 =	sor.u32 s14, s15  }
0x50: {  	v0 =	vld [tilespmem:s15+$0x2000];
	_ =	sdelay $0x1  }
0x51: {  	v1 =	vld [tilespmem:s15+$0x2080];
	_ =	sdelay $0x1  }
0x52: {  	v2 =	vld [tilespmem:s15+$0x2100];
	_ =	sdelay $0x1  }
0x53: {  	v3 =	vld [tilespmem:s15+$0x2180]  }
0x54: {  	v4 =	vld [tilespmem:s15+$0x2200]  }
0x55: {  	v0 =	vld.idx.msk [tilespmem:v0+s2+$0x0], $0xffff  }
0x56: {  	v5 =	vld [tilespmem:s15+$0x2280]  }
0x57: {  	v1 =	vld.idx.msk [tilespmem:v1+s2+$0x0], $0xffff  }
0x58: {  	v6 =	vld [tilespmem:s15+$0x2300]  }
0x59: {  	v2 =	vld.idx.msk [tilespmem:v2+s2+$0x0], $0xffff  }
0x5a: {  	v7 =	vld [tilespmem:s15+$0x2380];
	v8 =	vand.u32 $0xFFFF0000, v0  }
0x5b: {  	v3 =	vld.idx.msk [tilespmem:v3+s2+$0x0], $0xffff;
	v0 =	vshll.u32 v0, $0x10;
	v8 =	vadd.f32 $0.0e+00, v8  }
0x5c: {  	v9 =	vand.u32 $0xFFFF0000, v1;
	v0 =	vadd.f32 $0.0e+00, v0  }
0x5d: {  	v4 =	vld.idx.msk [tilespmem:v4+s2+$0x0], $0xffff;
	v1 =	vshll.u32 v1, $0x10;
	v8 =	vadd.f32 v9, v8  }
0x5e: {  	v53 =	vand.u32 $0xFFFF0000, v2;
	v0 =	vadd.f32 v1, v0  }
0x5f: {  	v5 =	vld.idx.msk [tilespmem:v5+s2+$0x0], $0xffff;
	v2 =	vshll.u32 v2, $0x10;
	v1 =	vadd.f32 v53, v8  }
0x60: {  	v54 =	vand.u32 $0xFFFF0000, v3;
	v0 =	vadd.f32 v2, v0  }
0x61: {  	v6 =	vld.idx.msk [tilespmem:v6+s2+$0x0], $0xffff;
	v3 =	vshll.u32 v3, $0x10;
	v1 =	vadd.f32 v54, v1  }
0x62: {  	v55 =	vand.u32 $0xFFFF0000, v4;
	v0 =	vadd.f32 v3, v0  }
0x63: {  	v57 =	vld.idx.msk [tilespmem:v7+s2+$0x0], $0xffff;
	v56 =	vshll.u32 v4, $0x10;
	v1 =	vadd.f32 v55, v1  }
0x64: {  	v58 =	vand.u32 $0xFFFF0000, v5;
	v0 =	vadd.f32 v56, v0  }
0x65: {  	v59 =	vshll.u32 v5, $0x10;
	v1 =	vadd.f32 v58, v1  }
0x66: {  	v60 =	vand.u32 $0xFFFF0000, v6;
	v0 =	vadd.f32 v59, v0  }
0x67: {  	v61 =	vshll.u32 v6, $0x10;
	v1 =	vadd.f32 v60, v1  }
0x68: {  	s13 =	sshll.u32 s13, $0x5;
	v62 =	vand.u32 $0xFFFF0000, v57;
	v0 =	vadd.f32 v61, v0  }
0x69: {  	s13 =	sand.u32 $0x3FFFFF00, s13;
	v63 =	vshll.u32 v57, $0x10;
	v1 =	vadd.f32 v62, v1  }
0x6a: {  	s12 =	sadd.s32 $0x1, s12;
	s13 =	sor.u32 s14, s13;
	v0 =	vadd.f32 v63, v0  }
0x6b: {  	p0 =	sne.s32 s12, s6;
	[tilespmem:s13+$0x3080] =	vst v1  }
.Ltmp1:
0x6c: {  	[tilespmem:s13+$0x3000] =	vst v0;
	(pc) =	sbr.rel @p0 .LBB2_1-.Ltmp1, $4  }
0x6d: {  	[hbm4b:s5+s2] =	stream.linear.scatter [tilespmem:s10], [sflag:$0x3], $0x400, $0x38;
	[tilespmem:$0x3400] =	vst v63  }
0x6e: {  	_ =	swait.ge [sflag:s11], $0x400  }
0x6f: {  	[sflag:s11] =	ssyncset.done $0x0  }
0x70: {  	[sflag:s11] =	ssyncadd.s32 $0xFFFFFC00  }
0x71: {  	_ =	sfence.sel $0x180000  }
0x72: {  	[bflag:$0x0] =	sbarrier.arrive $0xFFFF  }
0x73: {  	p0 =	sne.s32 s1, $0x0;
	_ =	strace $0x90000047  }
0x74: {  	s0 =	sadd.s32 @!p0 $0x100000, s0;
	[bflag:$0x2] =	sbarrier.arrive $0xFFFF  }
0x75: {  	[sflag:s0] =	ssyncadd.tile.s32 @!p0 $0x1;
	_ =	shalt  }
.Lfunc_end2:
_tile_overlayer_lowered:
.L_overlay_start_2:
0x76: {  	(tag) =	ssettag $0x2  }
0x77: {  	s0 =	rddreg [dreg:$0x0];
	s2 =	stileid.u32  }
0x78: {  	s1 =	rddreg [dreg:$0x1];
	p0 =	sne.s32 s2, $0x0  }
0x79: {  	s3 =	rddreg [dreg:$0x2];
	[bflag:$0x3] =	sbarrier.arrive $0xFFFF;
	s2 =	simm.s32 @!p0 $0x1C03  }
0x7a: {  	[timem:s3], [sflag:s2] =	dma.local @!p0 [hbm:s0], s1  }
0x7b: {  	s0 =	simm.s32 @!p0 $0x3  }
0x7c: {  	_ =	swait.ge @!p0 [sflag:s0], s1  }
0x7d: {  	s1 =	ssub.s32 @!p0 $0x0, s1;
	[sflag:s0] =	ssyncset.done @!p0 $0x0  }
0x7e: {  	[sflag:s0] =	ssyncadd.s32 @!p0 s1  }
0x7f: {  	[bflag:$0x3] =	sbarrier.arrive $0xFFFF  }
0x80: {  	_ =	shalt  }

</sc_bundles>
